<compile_context>
chip_gen: v7x
topology: tpu7x:2x2x1
jax: 0.10.2.dev20260603
libtpu: 0.0.44.dev20260713+nightly
codegen_flags: <defaults>
</compile_context>

<pallas_src>
import dataclasses
import functools

import jax
import jax.numpy as jnp
from jax import lax
from jax.experimental import pallas as pl
from jax.experimental.pallas import tpu as pltpu
from jax.experimental.pallas import tpu_sc as plsc

_N = 10000
_E = 320000
_NC = 2
_NS = 16
_NW = _NC * _NS
_L = 16
_NPAD = 10240
_NPT = _NPAD // _NS
_RPW = 80
_EPAD = _NW * _RPW * 128
_EROWS = _EPAD // 128

_mesh = plsc.VectorSubcoreMesh(
    core_axis_name="c", subcore_axis_name="s",
    num_cores=_NC, num_subcores=_NS)

_sc_params = pltpu.CompilerParams()
if "needs_layout_passes" in pltpu.CompilerParams.__dataclass_fields__:
    _sc_params = dataclasses.replace(_sc_params, needs_layout_passes=False)


def _zero_fill(z_v):
    @pl.loop(0, _NPT, step=_L)
    def _zero(i):
        z_v[pl.ds(i, _L)] = jnp.zeros((_L,), jnp.float32)


@functools.partial(
    pl.kernel,
    out_type=jax.ShapeDtypeStruct((_NC, _NPAD), jnp.float32),
    mesh=_mesh,
    compiler_params=_sc_params,
    scratch_types=[
        pltpu.VMEM((_RPW, 128), jnp.int32),
        pltpu.VMEM((_RPW, 128), jnp.float32),
        pltpu.VMEM((_NPT,), jnp.float32),
        pltpu.VMEM_SHARED((_NPAD,), jnp.float32),
    ],
)
def _sc_degree(dst_hbm, w_hbm, out_hbm, dst_v, w_v, z_v, deg_s):
    c = lax.axis_index("c")
    s = lax.axis_index("s")
    wid = c * _NS + s

    _zero_fill(z_v)
    pltpu.sync_copy(z_v, deg_s.at[pl.ds(s * _NPT, _NPT)])
    pltpu.sync_copy(dst_hbm.at[pl.ds(wid * _RPW, _RPW)], dst_v)
    pltpu.sync_copy(w_hbm.at[pl.ds(wid * _RPW, _RPW)], w_v)
    plsc.subcore_barrier()

    @pl.loop(0, _RPW)
    def _scat(r):
        pltpu.sync_copy(w_v.at[r], deg_s.at[dst_v.at[r]], add=True)

    plsc.subcore_barrier()

    @pl.when(s == 0)
    def _out():
        pltpu.sync_copy(deg_s, out_hbm.at[c])


@functools.partial(
    pl.kernel,
    out_type=[jax.ShapeDtypeStruct((_NC, 2, _NPAD), jnp.float32),
              jax.ShapeDtypeStruct((_EROWS, 128), jnp.float32)],
    mesh=_mesh,
    compiler_params=_sc_params,
    scratch_types=[
        pltpu.VMEM((_NPAD,), jnp.float32),
        pltpu.VMEM((_NPAD,), jnp.float32),
        pltpu.VMEM((_NPAD,), jnp.float32),
        pltpu.VMEM((_RPW, 128), jnp.int32),
        pltpu.VMEM((_RPW, 128), jnp.int32),
        pltpu.VMEM((_RPW, 128), jnp.float32),
        pltpu.VMEM((_RPW, 128), jnp.float32),
        pltpu.VMEM((_RPW, 128), jnp.float32),
        pltpu.VMEM((_RPW, 128), jnp.float32),
        pltpu.VMEM((_NPT,), jnp.float32),
        pltpu.VMEM_SHARED((_NPAD,), jnp.float32),
        pltpu.VMEM_SHARED((_NPAD,), jnp.float32),
    ],
)
def _sc_layer1(src_hbm, dst_hbm, w_hbm, dis_hbm, xwt_hbm, h1p_hbm, norm_hbm,
               dis_v, xw0_v, xw1_v, src_v, dst_v, w_v, norm_v, val0_v, val1_v,
               z_v, acc0_s, acc1_s):
    c = lax.axis_index("c")
    s = lax.axis_index("s")
    wid = c * _NS + s
    rowbase = wid * _RPW

    _zero_fill(z_v)
    pltpu.sync_copy(z_v, acc0_s.at[pl.ds(s * _NPT, _NPT)])
    pltpu.sync_copy(z_v, acc1_s.at[pl.ds(s * _NPT, _NPT)])
    pltpu.sync_copy(dis_hbm, dis_v)
    pltpu.sync_copy(xwt_hbm.at[0], xw0_v)
    pltpu.sync_copy(xwt_hbm.at[1], xw1_v)
    pltpu.sync_copy(src_hbm.at[pl.ds(rowbase, _RPW)], src_v)
    pltpu.sync_copy(dst_hbm.at[pl.ds(rowbase, _RPW)], dst_v)
    pltpu.sync_copy(w_hbm.at[pl.ds(rowbase, _RPW)], w_v)
    plsc.subcore_barrier()

    @pl.loop(0, _RPW)
    def _compute(r):
        for j in range(128 // _L):
            sl = pl.ds(j * _L, _L)
            si = src_v[r, sl]
            di = dst_v[r, sl]
            wv = w_v[r, sl]
            nrm = (plsc.load_gather(dis_v, [si]) * wv
                   * plsc.load_gather(dis_v, [di]))
            norm_v[r, sl] = nrm
            val0_v[r, sl] = plsc.load_gather(xw0_v, [si]) * nrm
            val1_v[r, sl] = plsc.load_gather(xw1_v, [si]) * nrm

    pltpu.sync_copy(norm_v, norm_hbm.at[pl.ds(rowbase, _RPW)])

    @pl.loop(0, _RPW)
    def _scatter(r):
        pltpu.sync_copy(val0_v.at[r], acc0_s.at[dst_v.at[r]], add=True)
        pltpu.sync_copy(val1_v.at[r], acc1_s.at[dst_v.at[r]], add=True)

    plsc.subcore_barrier()

    @pl.when(s == 0)
    def _out():
        pltpu.sync_copy(acc0_s, h1p_hbm.at[c, 0])
        pltpu.sync_copy(acc1_s, h1p_hbm.at[c, 1])


@functools.partial(
    pl.kernel,
    out_type=jax.ShapeDtypeStruct((_NC, _NPAD), jnp.float32),
    mesh=_mesh,
    compiler_params=_sc_params,
    scratch_types=[
        pltpu.VMEM((_NPAD,), jnp.float32),
        pltpu.VMEM((_RPW, 128), jnp.int32),
        pltpu.VMEM((_RPW, 128), jnp.int32),
        pltpu.VMEM((_RPW, 128), jnp.float32),
        pltpu.VMEM((_RPW, 128), jnp.float32),
        pltpu.VMEM((_NPT,), jnp.float32),
        pltpu.VMEM_SHARED((_NPAD,), jnp.float32),
    ],
)
def _sc_layer2(src_hbm, dst_hbm, norm_hbm, hw2_hbm, out_hbm,
               hw2_v, src_v, dst_v, norm_v, val_v, z_v, acc_s):
    c = lax.axis_index("c")
    s = lax.axis_index("s")
    wid = c * _NS + s
    rowbase = wid * _RPW

    _zero_fill(z_v)
    pltpu.sync_copy(z_v, acc_s.at[pl.ds(s * _NPT, _NPT)])
    pltpu.sync_copy(hw2_hbm, hw2_v)
    pltpu.sync_copy(src_hbm.at[pl.ds(rowbase, _RPW)], src_v)
    pltpu.sync_copy(dst_hbm.at[pl.ds(rowbase, _RPW)], dst_v)
    pltpu.sync_copy(norm_hbm.at[pl.ds(rowbase, _RPW)], norm_v)
    plsc.subcore_barrier()

    @pl.loop(0, _RPW)
    def _compute(r):
        for j in range(128 // _L):
            sl = pl.ds(j * _L, _L)
            si = src_v[r, sl]
            val_v[r, sl] = plsc.load_gather(hw2_v, [si]) * norm_v[r, sl]

    @pl.loop(0, _RPW)
    def _scatter(r):
        pltpu.sync_copy(val_v.at[r], acc_s.at[dst_v.at[r]], add=True)

    plsc.subcore_barrier()

    @pl.when(s == 0)
    def _out():
        pltpu.sync_copy(acc_s, out_hbm.at[c])


def _tc_xw_body(x_ref, w1_ref, xwt_ref):
    xwt_ref[...] = lax.dot_general(
        w1_ref[...], x_ref[...],
        dimension_numbers=(((1,), (1,)), ((), ())),
        preferred_element_type=jnp.float32)


_tc_xw = pl.pallas_call(
    _tc_xw_body,
    out_shape=jax.ShapeDtypeStruct((2, _NPAD), jnp.float32),
)


def _tc_dis_body(degp_ref, dis_ref):
    deg = degp_ref[0:1, :] + degp_ref[1:2, :] + 1.0
    dis_ref[...] = lax.rsqrt(deg)


_tc_dis = pl.pallas_call(
    _tc_dis_body,
    out_shape=jax.ShapeDtypeStruct((1, _NPAD), jnp.float32),
)


def _leaky(h):
    return jnp.where(h >= 0, h, 0.1 * h)


def _tc_mid_body(h1p_ref, xwt_ref, dis_ref, p_ref, hw2_ref):
    dis2 = dis_ref[...] * dis_ref[...]
    col = lax.broadcasted_iota(jnp.int32, (1, _NPAD), 1)
    msk = col < _N
    inv_n = 1.0 / _N
    hn = []
    for ch in range(2):
        h = (h1p_ref[ch:ch + 1, :] + h1p_ref[2 + ch:3 + ch, :]
             + xwt_ref[ch:ch + 1, :] * dis2 + p_ref[ch])
        h = _leaky(h)
        mean = jnp.sum(jnp.where(msk, h, 0.0)) * inv_n
        var = jnp.sum(jnp.where(msk, (h - mean) * (h - mean), 0.0)) * inv_n
        hn.append((h - mean) * lax.rsqrt(var + 1e-5) * p_ref[2 + ch]
                  + p_ref[4 + ch])
    hw2 = hn[0] * p_ref[6] + hn[1] * p_ref[7]
    hw2_ref[...] = jnp.where(msk, hw2, 0.0)


_tc_mid = pl.pallas_call(
    _tc_mid_body,
    in_specs=[
        pl.BlockSpec(memory_space=pltpu.VMEM),
        pl.BlockSpec(memory_space=pltpu.VMEM),
        pl.BlockSpec(memory_space=pltpu.VMEM),
        pl.BlockSpec(memory_space=pltpu.SMEM),
    ],
    out_shape=jax.ShapeDtypeStruct((1, _NPAD), jnp.float32),
)


def _tc_fin_body(h2p_ref, hw2_ref, dis_ref, p_ref, out_ref):
    dis2 = dis_ref[...] * dis_ref[...]
    col = lax.broadcasted_iota(jnp.int32, (1, _NPAD), 1)
    msk = col < _N
    inv_n = 1.0 / _N
    h = (h2p_ref[0:1, :] + h2p_ref[1:2, :] + hw2_ref[...] * dis2 + p_ref[0])
    h = _leaky(h)
    mean = jnp.sum(jnp.where(msk, h, 0.0)) * inv_n
    var = jnp.sum(jnp.where(msk, (h - mean) * (h - mean), 0.0)) * inv_n
    out_ref[...] = (h - mean) * lax.rsqrt(var + 1e-5) * p_ref[1] + p_ref[2]


_tc_fin = pl.pallas_call(
    _tc_fin_body,
    in_specs=[
        pl.BlockSpec(memory_space=pltpu.VMEM),
        pl.BlockSpec(memory_space=pltpu.VMEM),
        pl.BlockSpec(memory_space=pltpu.VMEM),
        pl.BlockSpec(memory_space=pltpu.SMEM),
    ],
    out_shape=jax.ShapeDtypeStruct((1, _NPAD), jnp.float32),
)


def kernel(x, edge_index, edge_attr, W1, b1, g1, be1, W2, b2, g2, be2):
    src = edge_index[0]
    dst = edge_index[1]
    pad = _EPAD - _E
    pad_dst = (_N + jnp.arange(pad, dtype=jnp.int32) % (_NPAD - _N))
    pad_src = jnp.arange(pad, dtype=jnp.int32) % _N
    srcp = jnp.concatenate([src, pad_src]).reshape(_EROWS, 128)
    dstp = jnp.concatenate([dst, pad_dst]).reshape(_EROWS, 128)
    wp = jnp.pad(edge_attr, (0, pad)).reshape(_EROWS, 128)
    xpad = jnp.pad(x, ((0, _NPAD - _N), (0, 0)))

    degp = _sc_degree(dstp, wp)
    xwt = _tc_xw(xpad, W1)
    dis = _tc_dis(degp)
    h1p, normp = _sc_layer1(srcp, dstp, wp, dis.reshape(_NPAD), xwt)
    p1 = jnp.concatenate([b1, g1, be1, W2[0]])
    hw2 = _tc_mid(h1p.reshape(4, _NPAD), xwt, dis, p1)
    h2p = _sc_layer2(srcp, dstp, normp, hw2.reshape(_NPAD))
    p2 = jnp.concatenate([b2, g2, be2])
    out = _tc_fin(h2p, hw2, dis, p2)
    return out[0, :_N].reshape(_N, 1)

# --- scband reference (transcript-rebuilt; emitter-appended) ---
"""Pipeline reference for scband-lat-net-54657753809279 (READ-ONLY COPY).

The authoritative reference and input builder live on the scoring server;
editing this copy changes nothing except your own understanding.
"""

import jax, jax.numpy as jnp
import numpy as np

N = 10000
E = 320000
D = 128


def setup_inputs(seed: int = 0) -> dict:
    key = jax.random.key(seed)
    ks = jax.random.split(key, 6)
    x = jax.random.normal(ks[0], (N, D), dtype=jnp.float32)
    edge_index = jax.random.randint(ks[1], (2, E), 0, N, dtype=jnp.int32)
    edge_attr = jax.random.uniform(ks[2], (E,), dtype=jnp.float32)
    # GCNConv 1: in=128 -> out=2 (glorot-ish init)
    W1 = jax.random.normal(ks[3], (2, D), dtype=jnp.float32) * (1.0 / np.sqrt(D))
    b1 = jnp.zeros((2,), dtype=jnp.float32)
    g1 = jnp.ones((2,), dtype=jnp.float32)
    be1 = jnp.zeros((2,), dtype=jnp.float32)
    # GCNConv 2: in=2 -> out=1
    W2 = jax.random.normal(ks[4], (1, 2), dtype=jnp.float32) * (1.0 / np.sqrt(2))
    b2 = jnp.zeros((1,), dtype=jnp.float32)
    g2 = jnp.ones((1,), dtype=jnp.float32)
    be2 = jnp.zeros((1,), dtype=jnp.float32)
    return {"x": x, "edge_index": edge_index, "edge_attr": edge_attr,
            "W1": W1, "b1": b1, "g1": g1, "be1": be1,
            "W2": W2, "b2": b2, "g2": g2, "be2": be2}


def gcn_conv(x, src, dst, ew, W, b, n):
    # PyG GCNConv: add self-loops (weight 1), symmetric normalization with edge weights
    loop = jnp.arange(n, dtype=src.dtype)
    s = jnp.concatenate([src, loop])
    d = jnp.concatenate([dst, loop])
    w = jnp.concatenate([ew, jnp.ones((n,), dtype=ew.dtype)])
    deg = jnp.zeros((n,), dtype=x.dtype).at[d].add(w)
    deg_inv_sqrt = jnp.where(deg > 0, 1.0 / jnp.sqrt(deg), 0.0)
    norm = deg_inv_sqrt[s] * w * deg_inv_sqrt[d]
    xw = x @ W.T
    msg = xw[s] * norm[:, None]
    out = jnp.zeros((n, W.shape[0]), dtype=x.dtype).at[d].add(msg)
    return out + b


def batchnorm1d(x, gamma, beta, eps=1e-5):
    # training-mode batch norm (biased variance), as nn.BatchNorm1d in train mode
    m = jnp.mean(x, axis=0)
    v = jnp.var(x, axis=0)
    return (x - m) / jnp.sqrt(v + eps) * gamma + beta


def leaky_relu(x, slope=0.1):
    return jnp.where(x >= 0, x, slope * x)


def reference(x, edge_index, edge_attr, W1, b1, g1, be1, W2, b2, g2, be2):
    src = edge_index[0]
    dst = edge_index[1]
    # ConvBlock 1: GCNConv(128->2) -> LeakyReLU(0.1) -> BatchNorm1d(2)
    h = gcn_conv(x, src, dst, edge_attr, W1, b1, N)
    h = batchnorm1d(leaky_relu(h), g1, be1)
    # ConvBlock 2: GCNConv(2->1) -> LeakyReLU(0.1) -> BatchNorm1d(1)
    h = gcn_conv(h, src, dst, edge_attr, W2, b2, N)
    h = batchnorm1d(leaky_relu(h), g2, be2)
    return h

if __name__ == "__main__":
    import jax
    _d = setup_inputs()
    print(jax.jit(kernel)(*tuple(_d.values())))

</pallas_src>

<mosaic_0001>
#map = affine_map<(d0, d1) -> (0, 0)>
module attributes {stable_mosaic.version = 14 : i64} {
  func.func @_sc_degree(%arg0: i32, %arg1: i32, %arg2: memref<2560x128xi32, #tpu.memory_space<hbm>>, %arg3: memref<2560x128xf32, #tpu.memory_space<hbm>>, %arg4: memref<2x10240xf32, #tpu.memory_space<hbm>>, %arg5: memref<80x128xi32, #tpu.memory_space<vmem>>, %arg6: memref<80x128xf32, #tpu.memory_space<vmem>>, %arg7: memref<640xf32, #tpu.memory_space<vmem>>, %arg8: memref<10240xf32, #tpu.memory_space<vmem_shared>>) attributes {dimension_semantics = [#tpu.dimension_semantics<core_parallel>, #tpu.dimension_semantics<subcore_parallel>], iteration_bounds = array<i64: 2, 16>, scalar_prefetch = 0 : i64, scratch_operands = 4 : i64, tpu.core_type = #tpu.core_type<sc_vector_subcore>, window_params = [{transform_indices = #map}, {transform_indices = #map}, {transform_indices = #map}]} {
    %mul3A = arith.constant 16 : i32
    %mul3A_0 = arith.muli %arg0, %mul3A : i32
    %add3A = arith.addi %mul3A_0, %arg1 : i32
    %scan3A = arith.constant 0 : i32
    %scan3A_1 = arith.constant 40 : i32
    %scan3A_2 = arith.addi %scan3A, %scan3A_1 : i32
    %scan3A_3 = arith.constant 1 : i32
    scf.for %scan3A_19 = %scan3A to %scan3A_2 step %scan3A_3  : i32 {
      %mul3A_20 = arith.constant 16 : i32
      %mul3A_21 = arith.muli %scan3A_19, %mul3A_20 : i32
      %add3A_22 = arith.constant 0 : i32
      %add3A_23 = arith.addi %add3A_22, %mul3A_21 : i32
      %broadcast_in_dim3A = arith.constant 0.000000e+00 : f32
      %broadcast_in_dim3A_24 = vector.broadcast %broadcast_in_dim3A : f32 to vector<16xf32>
      %swap3A = arith.index_cast %add3A_23 : i32 to index
      %swap3A_25 = tpu.vector_load %arg7[%swap3A] {strides = array<i32>} : memref<640xf32, #tpu.memory_space<vmem>>, vector<16xf32>,
      tpu.vector_store %arg7[%swap3A], %broadcast_in_dim3A_24 {strides = array<i32>} : memref<640xf32, #tpu.memory_space<vmem>>, vector<16xf32>,
    }
    %scan3A_4 = arith.constant 40 : i32
    %mul3A_5 = arith.constant 640 : i32
    %mul3A_6 = arith.muli %arg1, %mul3A_5 : i32
    "tpu.region"() ({
      %run_scoped3A = tpu.sem_alloc : memref<!tpu.dma_semaphore, #tpu.memory_space<semaphore_mem>>
      %dma_start3A = tpu.memref_slice %arg8[%mul3A_6] : memref<10240xf32, #tpu.memory_space<vmem_shared>> -> memref<640xf32, #tpu.memory_space<vmem_shared>>
      %dma_start3A_19 = tpu.memref_slice %arg8[%mul3A_6] : memref<10240xf32, #tpu.memory_space<vmem_shared>> -> memref<640xf32, #tpu.memory_space<vmem_shared>>
      tpu.enqueue_dma source(%arg7 : memref<640xf32, #tpu.memory_space<vmem>>) target(%dma_start3A_19 : memref<640xf32, #tpu.memory_space<vmem_shared>>) target_semaphore(%run_scoped3A : memref<!tpu.dma_semaphore, #tpu.memory_space<semaphore_mem>>)
      %dma_wait3A = tpu.memref_slice %arg8[%mul3A_6] : memref<10240xf32, #tpu.memory_space<vmem_shared>> -> memref<640xf32, #tpu.memory_space<vmem_shared>>
      %dma_wait3A_20 = tpu.memref_slice %arg8[%mul3A_6] : memref<10240xf32, #tpu.memory_space<vmem_shared>> -> memref<640xf32, #tpu.memory_space<vmem_shared>>
      tpu.wait_dma2 semaphore(%run_scoped3A : memref<!tpu.dma_semaphore, #tpu.memory_space<semaphore_mem>>) src(%arg7 : memref<640xf32, #tpu.memory_space<vmem>>) dst(%dma_wait3A_20 : memref<640xf32, #tpu.memory_space<vmem_shared>>)
      tpu.yield
    }) : () -> ()
    %mul3A_7 = arith.constant 80 : i32
    %mul3A_8 = arith.muli %add3A, %mul3A_7 : i32
    "tpu.region"() ({
      %run_scoped3A = tpu.sem_alloc : memref<!tpu.dma_semaphore, #tpu.memory_space<semaphore_mem>>
      %dma_start3A = arith.constant 0 : i32
      %dma_start3A_19 = tpu.memref_slice %arg2[%mul3A_8, %dma_start3A] : memref<2560x128xi32, #tpu.memory_space<hbm>> -> memref<80x128xi32, #tpu.memory_space<hbm>>
      %dma_start3A_20 = arith.constant 0 : i32
      %dma_start3A_21 = tpu.memref_slice %arg2[%mul3A_8, %dma_start3A_20] : memref<2560x128xi32, #tpu.memory_space<hbm>> -> memref<80x128xi32, #tpu.memory_space<hbm>>
      tpu.enqueue_dma source(%dma_start3A_21 : memref<80x128xi32, #tpu.memory_space<hbm>>) target(%arg5 : memref<80x128xi32, #tpu.memory_space<vmem>>) target_semaphore(%run_scoped3A : memref<!tpu.dma_semaphore, #tpu.memory_space<semaphore_mem>>)
      %dma_wait3A = arith.constant 0 : i32
      %dma_wait3A_22 = tpu.memref_slice %arg2[%mul3A_8, %dma_wait3A] : memref<2560x128xi32, #tpu.memory_space<hbm>> -> memref<80x128xi32, #tpu.memory_space<hbm>>
      %dma_wait3A_23 = arith.constant 0 : i32
      %dma_wait3A_24 = tpu.memref_slice %arg2[%mul3A_8, %dma_wait3A_23] : memref<2560x128xi32, #tpu.memory_space<hbm>> -> memref<80x128xi32, #tpu.memory_space<hbm>>
      tpu.wait_dma2 semaphore(%run_scoped3A : memref<!tpu.dma_semaphore, #tpu.memory_space<semaphore_mem>>) src(%dma_wait3A_24 : memref<80x128xi32, #tpu.memory_space<hbm>>) dst(%arg5 : memref<80x128xi32, #tpu.memory_space<vmem>>)
      tpu.yield
    }) : () -> ()
    %mul3A_9 = arith.constant 80 : i32
    %mul3A_10 = arith.muli %add3A, %mul3A_9 : i32
    "tpu.region"() ({
      %run_scoped3A = tpu.sem_alloc : memref<!tpu.dma_semaphore, #tpu.memory_space<semaphore_mem>>
      %dma_start3A = arith.constant 0 : i32
      %dma_start3A_19 = tpu.memref_slice %arg3[%mul3A_10, %dma_start3A] : memref<2560x128xf32, #tpu.memory_space<hbm>> -> memref<80x128xf32, #tpu.memory_space<hbm>>
      %dma_start3A_20 = arith.constant 0 : i32
      %dma_start3A_21 = tpu.memref_slice %arg3[%mul3A_10, %dma_start3A_20] : memref<2560x128xf32, #tpu.memory_space<hbm>> -> memref<80x128xf32, #tpu.memory_space<hbm>>
      tpu.enqueue_dma source(%dma_start3A_21 : memref<80x128xf32, #tpu.memory_space<hbm>>) target(%arg6 : memref<80x128xf32, #tpu.memory_space<vmem>>) target_semaphore(%run_scoped3A : memref<!tpu.dma_semaphore, #tpu.memory_space<semaphore_mem>>)
      %dma_wait3A = arith.constant 0 : i32
      %dma_wait3A_22 = tpu.memref_slice %arg3[%mul3A_10, %dma_wait3A] : memref<2560x128xf32, #tpu.memory_space<hbm>> -> memref<80x128xf32, #tpu.memory_space<hbm>>
      %dma_wait3A_23 = arith.constant 0 : i32
      %dma_wait3A_24 = tpu.memref_slice %arg3[%mul3A_10, %dma_wait3A_23] : memref<2560x128xf32, #tpu.memory_space<hbm>> -> memref<80x128xf32, #tpu.memory_space<hbm>>
      tpu.wait_dma2 semaphore(%run_scoped3A : memref<!tpu.dma_semaphore, #tpu.memory_space<semaphore_mem>>) src(%dma_wait3A_24 : memref<80x128xf32, #tpu.memory_space<hbm>>) dst(%arg6 : memref<80x128xf32, #tpu.memory_space<vmem>>)
      tpu.yield
    }) : () -> ()
    %barrier3A = arith.constant 0 : index
    tpu.barrier barrier_id(%barrier3A)
    %scan3A_11 = arith.constant 0 : i32
    %scan3A_12 = arith.constant 80 : i32
    %scan3A_13 = arith.addi %scan3A_11, %scan3A_12 : i32
    %scan3A_14 = arith.constant 1 : i32
    scf.for %scan3A_19 = %scan3A_11 to %scan3A_13 step %scan3A_14  : i32 {
      %mul3A_20 = arith.constant 1 : i32
      %mul3A_21 = arith.muli %scan3A_19, %mul3A_20 : i32
      %add3A_22 = arith.constant 0 : i32
      %add3A_23 = arith.addi %add3A_22, %mul3A_21 : i32
      "tpu.region"() ({
        %run_scoped3A = tpu.sem_alloc : memref<!tpu.dma_semaphore, #tpu.memory_space<semaphore_mem>>
        %dma_start3A = arith.constant 0 : i32
        %dma_start3A_24 = tpu.memref_slice %arg6[%add3A_23, %dma_start3A] : memref<80x128xf32, #tpu.memory_space<vmem>> -> memref<1x128xf32, #tpu.memory_space<vmem>>
        %dma_start3A_25 = tpu.memref_squeeze %dma_start3A_24 : memref<1x128xf32, #tpu.memory_space<vmem>> -> memref<128xf32, #tpu.memory_space<vmem>>
        %dma_start3A_26 = arith.constant 0 : i32
        %dma_start3A_27 = tpu.memref_slice %arg5[%add3A_23, %dma_start3A_26] : memref<80x128xi32, #tpu.memory_space<vmem>> -> memref<1x128xi32, #tpu.memory_space<vmem>>
        %dma_start3A_28 = tpu.memref_squeeze %dma_start3A_27 : memref<1x128xi32, #tpu.memory_space<vmem>> -> memref<128xi32, #tpu.memory_space<vmem>>
        %dma_start3A_29 = arith.constant 0 : i32
        %dma_start3A_30 = tpu.memref_slice %arg8[%dma_start3A_29] : memref<10240xf32, #tpu.memory_space<vmem_shared>> -> memref<10240xf32, #tpu.memory_space<vmem_shared>>
        tpu.enqueue_indirect_dma source(%dma_start3A_25 : memref<128xf32, #tpu.memory_space<vmem>>) target(%dma_start3A_30 : memref<10240xf32, #tpu.memory_space<vmem_shared>>) offsets(%dma_start3A_28 : memref<128xi32, #tpu.memory_space<vmem>>) semaphore(%run_scoped3A : memref<!tpu.dma_semaphore, #tpu.memory_space<semaphore_mem>>) {add = true}
        %dma_wait3A = arith.constant 0 : i32
        %dma_wait3A_31 = tpu.memref_slice %arg6[%add3A_23, %dma_wait3A] : memref<80x128xf32, #tpu.memory_space<vmem>> -> memref<1x128xf32, #tpu.memory_space<vmem>>
        %dma_wait3A_32 = tpu.memref_squeeze %dma_wait3A_31 : memref<1x128xf32, #tpu.memory_space<vmem>> -> memref<128xf32, #tpu.memory_space<vmem>>
        %dma_wait3A_33 = arith.constant 0 : i32
        %dma_wait3A_34 = tpu.memref_slice %arg5[%add3A_23, %dma_wait3A_33] : memref<80x128xi32, #tpu.memory_space<vmem>> -> memref<1x128xi32, #tpu.memory_space<vmem>>
        %dma_wait3A_35 = tpu.memref_squeeze %dma_wait3A_34 : memref<1x128xi32, #tpu.memory_space<vmem>> -> memref<128xi32, #tpu.memory_space<vmem>>
        %dma_wait3A_36 = arith.constant 0 : i32
        %dma_wait3A_37 = tpu.memref_slice %arg8[%dma_wait3A_36] : memref<10240xf32, #tpu.memory_space<vmem_shared>> -> memref<10240xf32, #tpu.memory_space<vmem_shared>>
        tpu.wait_indirect_dma semaphore(%run_scoped3A : memref<!tpu.dma_semaphore, #tpu.memory_space<semaphore_mem>>) src(%dma_wait3A_32 : memref<128xf32, #tpu.memory_space<vmem>>) dst(%dma_wait3A_37 : memref<10240xf32, #tpu.memory_space<vmem_shared>>)
        tpu.yield
      }) : () -> ()
    }
    %scan3A_15 = arith.constant 80 : i32
    %barrier3A_16 = arith.constant 0 : index
    tpu.barrier barrier_id(%barrier3A_16)
    %eq3A = arith.constant 0 : i32
    %eq3A_17 = arith.cmpi eq, %arg1, %eq3A : i32
    %convert_element_type3A = arith.extui %eq3A_17 : i1 to i32
    %cond3A = arith.constant 0 : i32
    %cond3A_18 = arith.cmpi ne, %convert_element_type3A, %cond3A : i32
    scf.if %cond3A_18 {
      "tpu.region"() ({
        %run_scoped3A = tpu.sem_alloc : memref<!tpu.dma_semaphore, #tpu.memory_space<semaphore_mem>>
        %dma_start3A = arith.constant 0 : i32
        %dma_start3A_19 = tpu.memref_slice %arg4[%arg0, %dma_start3A] : memref<2x10240xf32, #tpu.memory_space<hbm>> -> memref<1x10240xf32, #tpu.memory_space<hbm>>
        %dma_start3A_20 = tpu.memref_squeeze %dma_start3A_19 : memref<1x10240xf32, #tpu.memory_space<hbm>> -> memref<10240xf32, #tpu.memory_space<hbm>>
        tpu.enqueue_dma source(%arg8 : memref<10240xf32, #tpu.memory_space<vmem_shared>>) target(%dma_start3A_20 : memref<10240xf32, #tpu.memory_space<hbm>>) target_semaphore(%run_scoped3A : memref<!tpu.dma_semaphore, #tpu.memory_space<semaphore_mem>>)
        %dma_wait3A = arith.constant 0 : i32
        %dma_wait3A_21 = tpu.memref_slice %arg4[%arg0, %dma_wait3A] : memref<2x10240xf32, #tpu.memory_space<hbm>> -> memref<1x10240xf32, #tpu.memory_space<hbm>>
        %dma_wait3A_22 = tpu.memref_squeeze %dma_wait3A_21 : memref<1x10240xf32, #tpu.memory_space<hbm>> -> memref<10240xf32, #tpu.memory_space<hbm>>
        tpu.wait_dma2 semaphore(%run_scoped3A : memref<!tpu.dma_semaphore, #tpu.memory_space<semaphore_mem>>) src(%arg8 : memref<10240xf32, #tpu.memory_space<vmem_shared>>) dst(%dma_wait3A_22 : memref<10240xf32, #tpu.memory_space<hbm>>)
        tpu.yield
      }) : () -> ()
    } else {
    }
    return
  }
}

#map = affine_map<(d0, d1) -> (0, 0)>
#map1 = affine_map<(d0, d1) -> (0)>
module attributes {stable_mosaic.version = 14 : i64} {
  func.func @_sc_layer2(%arg0: i32, %arg1: i32, %arg2: memref<2560x128xi32, #tpu.memory_space<hbm>>, %arg3: memref<2560x128xi32, #tpu.memory_space<hbm>>, %arg4: memref<2560x128xf32, #tpu.memory_space<hbm>>, %arg5: memref<10240xf32, #tpu.memory_space<hbm>>, %arg6: memref<2x10240xf32, #tpu.memory_space<hbm>>, %arg7: memref<10240xf32, #tpu.memory_space<vmem>>, %arg8: memref<80x128xi32, #tpu.memory_space<vmem>>, %arg9: memref<80x128xi32, #tpu.memory_space<vmem>>, %arg10: memref<80x128xf32, #tpu.memory_space<vmem>>, %arg11: memref<80x128xf32, #tpu.memory_space<vmem>>, %arg12: memref<640xf32, #tpu.memory_space<vmem>>, %arg13: memref<10240xf32, #tpu.memory_space<vmem_shared>>) attributes {dimension_semantics = [#tpu.dimension_semantics<core_parallel>, #tpu.dimension_semantics<subcore_parallel>], iteration_bounds = array<i64: 2, 16>, scalar_prefetch = 0 : i64, scratch_operands = 7 : i64, tpu.core_type = #tpu.core_type<sc_vector_subcore>, window_params = [{transform_indices = #map}, {transform_indices = #map}, {transform_indices = #map}, {transform_indices = #map1}, {transform_indices = #map}]} {
    %mul3A = arith.constant 16 : i32
    %mul3A_0 = arith.muli %arg0, %mul3A : i32
    %add3A = arith.addi %mul3A_0, %arg1 : i32
    %mul3A_1 = arith.constant 80 : i32
    %mul3A_2 = arith.muli %add3A, %mul3A_1 : i32
    %scan3A = arith.constant 0 : i32
    %scan3A_3 = arith.constant 40 : i32
    %scan3A_4 = arith.addi %scan3A, %scan3A_3 : i32
    %scan3A_5 = arith.constant 1 : i32
    scf.for %scan3A_22 = %scan3A to %scan3A_4 step %scan3A_5  : i32 {
      %mul3A_23 = arith.constant 16 : i32
      %mul3A_24 = arith.muli %scan3A_22, %mul3A_23 : i32
      %add3A_25 = arith.constant 0 : i32
      %add3A_26 = arith.addi %add3A_25, %mul3A_24 : i32
      %broadcast_in_dim3A = arith.constant 0.000000e+00 : f32
      %broadcast_in_dim3A_27 = vector.broadcast %broadcast_in_dim3A : f32 to vector<16xf32>
      %swap3A = arith.index_cast %add3A_26 : i32 to index
      %swap3A_28 = tpu.vector_load %arg12[%swap3A] {strides = array<i32>} : memref<640xf32, #tpu.memory_space<vmem>>, vector<16xf32>,
      tpu.vector_store %arg12[%swap3A], %broadcast_in_dim3A_27 {strides = array<i32>} : memref<640xf32, #tpu.memory_space<vmem>>, vector<16xf32>,
    }
    %scan3A_6 = arith.constant 40 : i32
    %mul3A_7 = arith.constant 640 : i32
    %mul3A_8 = arith.muli %arg1, %mul3A_7 : i32
    "tpu.region"() ({
      %run_scoped3A = tpu.sem_alloc : memref<!tpu.dma_semaphore, #tpu.memory_space<semaphore_mem>>
      %dma_start3A = tpu.memref_slice %arg13[%mul3A_8] : memref<10240xf32, #tpu.memory_space<vmem_shared>> -> memref<640xf32, #tpu.memory_space<vmem_shared>>
      %dma_start3A_22 = tpu.memref_slice %arg13[%mul3A_8] : memref<10240xf32, #tpu.memory_space<vmem_shared>> -> memref<640xf32, #tpu.memory_space<vmem_shared>>
      tpu.enqueue_dma source(%arg12 : memref<640xf32, #tpu.memory_space<vmem>>) target(%dma_start3A_22 : memref<640xf32, #tpu.memory_space<vmem_shared>>) target_semaphore(%run_scoped3A : memref<!tpu.dma_semaphore, #tpu.memory_space<semaphore_mem>>)
      %dma_wait3A = tpu.memref_slice %arg13[%mul3A_8] : memref<10240xf32, #tpu.memory_space<vmem_shared>> -> memref<640xf32, #tpu.memory_space<vmem_shared>>
      %dma_wait3A_23 = tpu.memref_slice %arg13[%mul3A_8] : memref<10240xf32, #tpu.memory_space<vmem_shared>> -> memref<640xf32, #tpu.memory_space<vmem_shared>>
      tpu.wait_dma2 semaphore(%run_scoped3A : memref<!tpu.dma_semaphore, #tpu.memory_space<semaphore_mem>>) src(%arg12 : memref<640xf32, #tpu.memory_space<vmem>>) dst(%dma_wait3A_23 : memref<640xf32, #tpu.memory_space<vmem_shared>>)
      tpu.yield
    }) : () -> ()
    "tpu.region"() ({
      %run_scoped3A = tpu.sem_alloc : memref<!tpu.dma_semaphore, #tpu.memory_space<semaphore_mem>>
      tpu.enqueue_dma source(%arg5 : memref<10240xf32, #tpu.memory_space<hbm>>) target(%arg7 : memref<10240xf32, #tpu.memory_space<vmem>>) target_semaphore(%run_scoped3A : memref<!tpu.dma_semaphore, #tpu.memory_space<semaphore_mem>>)
      tpu.wait_dma2 semaphore(%run_scoped3A : memref<!tpu.dma_semaphore, #tpu.memory_space<semaphore_mem>>) src(%arg5 : memref<10240xf32, #tpu.memory_space<hbm>>) dst(%arg7 : memref<10240xf32, #tpu.memory_space<vmem>>)
      tpu.yield
    }) : () -> ()
    "tpu.region"() ({
      %run_scoped3A = tpu.sem_alloc : memref<!tpu.dma_semaphore, #tpu.memory_space<semaphore_mem>>
      %dma_start3A = arith.constant 0 : i32
      %dma_start3A_22 = tpu.memref_slice %arg2[%mul3A_2, %dma_start3A] : memref<2560x128xi32, #tpu.memory_space<hbm>> -> memref<80x128xi32, #tpu.memory_space<hbm>>
      %dma_start3A_23 = arith.constant 0 : i32
      %dma_start3A_24 = tpu.memref_slice %arg2[%mul3A_2, %dma_start3A_23] : memref<2560x128xi32, #tpu.memory_space<hbm>> -> memref<80x128xi32, #tpu.memory_space<hbm>>
      tpu.enqueue_dma source(%dma_start3A_24 : memref<80x128xi32, #tpu.memory_space<hbm>>) target(%arg8 : memref<80x128xi32, #tpu.memory_space<vmem>>) target_semaphore(%run_scoped3A : memref<!tpu.dma_semaphore, #tpu.memory_space<semaphore_mem>>)
      %dma_wait3A = arith.constant 0 : i32
      %dma_wait3A_25 = tpu.memref_slice %arg2[%mul3A_2, %dma_wait3A] : memref<2560x128xi32, #tpu.memory_space<hbm>> -> memref<80x128xi32, #tpu.memory_space<hbm>>
      %dma_wait3A_26 = arith.constant 0 : i32
      %dma_wait3A_27 = tpu.memref_slice %arg2[%mul3A_2, %dma_wait3A_26] : memref<2560x128xi32, #tpu.memory_space<hbm>> -> memref<80x128xi32, #tpu.memory_space<hbm>>
      tpu.wait_dma2 semaphore(%run_scoped3A : memref<!tpu.dma_semaphore, #tpu.memory_space<semaphore_mem>>) src(%dma_wait3A_27 : memref<80x128xi32, #tpu.memory_space<hbm>>) dst(%arg8 : memref<80x128xi32, #tpu.memory_space<vmem>>)
      tpu.yield
    }) : () -> ()
    "tpu.region"() ({
      %run_scoped3A = tpu.sem_alloc : memref<!tpu.dma_semaphore, #tpu.memory_space<semaphore_mem>>
      %dma_start3A = arith.constant 0 : i32
      %dma_start3A_22 = tpu.memref_slice %arg3[%mul3A_2, %dma_start3A] : memref<2560x128xi32, #tpu.memory_space<hbm>> -> memref<80x128xi32, #tpu.memory_space<hbm>>
      %dma_start3A_23 = arith.constant 0 : i32
      %dma_start3A_24 = tpu.memref_slice %arg3[%mul3A_2, %dma_start3A_23] : memref<2560x128xi32, #tpu.memory_space<hbm>> -> memref<80x128xi32, #tpu.memory_space<hbm>>
      tpu.enqueue_dma source(%dma_start3A_24 : memref<80x128xi32, #tpu.memory_space<hbm>>) target(%arg9 : memref<80x128xi32, #tpu.memory_space<vmem>>) target_semaphore(%run_scoped3A : memref<!tpu.dma_semaphore, #tpu.memory_space<semaphore_mem>>)
      %dma_wait3A = arith.constant 0 : i32
      %dma_wait3A_25 = tpu.memref_slice %arg3[%mul3A_2, %dma_wait3A] : memref<2560x128xi32, #tpu.memory_space<hbm>> -> memref<80x128xi32, #tpu.memory_space<hbm>>
      %dma_wait3A_26 = arith.constant 0 : i32
      %dma_wait3A_27 = tpu.memref_slice %arg3[%mul3A_2, %dma_wait3A_26] : memref<2560x128xi32, #tpu.memory_space<hbm>> -> memref<80x128xi32, #tpu.memory_space<hbm>>
      tpu.wait_dma2 semaphore(%run_scoped3A : memref<!tpu.dma_semaphore, #tpu.memory_space<semaphore_mem>>) src(%dma_wait3A_27 : memref<80x128xi32, #tpu.memory_space<hbm>>) dst(%arg9 : memref<80x128xi32, #tpu.memory_space<vmem>>)
      tpu.yield
    }) : () -> ()
    "tpu.region"() ({
      %run_scoped3A = tpu.sem_alloc : memref<!tpu.dma_semaphore, #tpu.memory_space<semaphore_mem>>
      %dma_start3A = arith.constant 0 : i32
      %dma_start3A_22 = tpu.memref_slice %arg4[%mul3A_2, %dma_start3A] : memref<2560x128xf32, #tpu.memory_space<hbm>> -> memref<80x128xf32, #tpu.memory_space<hbm>>
      %dma_start3A_23 = arith.constant 0 : i32
      %dma_start3A_24 = tpu.memref_slice %arg4[%mul3A_2, %dma_start3A_23] : memref<2560x128xf32, #tpu.memory_space<hbm>> -> memref<80x128xf32, #tpu.memory_space<hbm>>
      tpu.enqueue_dma source(%dma_start3A_24 : memref<80x128xf32, #tpu.memory_space<hbm>>) target(%arg10 : memref<80x128xf32, #tpu.memory_space<vmem>>) target_semaphore(%run_scoped3A : memref<!tpu.dma_semaphore, #tpu.memory_space<semaphore_mem>>)
      %dma_wait3A = arith.constant 0 : i32
      %dma_wait3A_25 = tpu.memref_slice %arg4[%mul3A_2, %dma_wait3A] : memref<2560x128xf32, #tpu.memory_space<hbm>> -> memref<80x128xf32, #tpu.memory_space<hbm>>
      %dma_wait3A_26 = arith.constant 0 : i32
      %dma_wait3A_27 = tpu.memref_slice %arg4[%mul3A_2, %dma_wait3A_26] : memref<2560x128xf32, #tpu.memory_space<hbm>> -> memref<80x128xf32, #tpu.memory_space<hbm>>
      tpu.wait_dma2 semaphore(%run_scoped3A : memref<!tpu.dma_semaphore, #tpu.memory_space<semaphore_mem>>) src(%dma_wait3A_27 : memref<80x128xf32, #tpu.memory_space<hbm>>) dst(%arg10 : memref<80x128xf32, #tpu.memory_space<vmem>>)
      tpu.yield
    }) : () -> ()
    %barrier3A = arith.constant 0 : index
    tpu.barrier barrier_id(%barrier3A)
    %scan3A_9 = arith.constant 0 : i32
    %scan3A_10 = arith.constant 80 : i32
    %scan3A_11 = arith.addi %scan3A_9, %scan3A_10 : i32
    %scan3A_12 = arith.constant 1 : i32
    scf.for %scan3A_22 = %scan3A_9 to %scan3A_11 step %scan3A_12  : i32 {
      %mul3A_23 = arith.constant 1 : i32
      %mul3A_24 = arith.muli %scan3A_22, %mul3A_23 : i32
      %add3A_25 = arith.constant 0 : i32
      %add3A_26 = arith.addi %add3A_25, %mul3A_24 : i32
      %get3A = arith.index_cast %add3A_26 : i32 to index
      %get3A_27 = arith.constant 0 : index
      %get3A_28 = tpu.vector_load %arg8[%get3A, %get3A_27] {strides = array<i32>} : memref<80x128xi32, #tpu.memory_space<vmem>>, vector<16xi32>,
      %gather3A = tpu.vector_load_idx %arg7[%get3A_28] : memref<10240xf32, #tpu.memory_space<vmem>>[vector<16xi32>], vector<16xf32>,
      %get3A_29 = arith.index_cast %add3A_26 : i32 to index
      %get3A_30 = arith.constant 0 : index
      %get3A_31 = tpu.vector_load %arg10[%get3A_29, %get3A_30] {strides = array<i32>} : memref<80x128xf32, #tpu.memory_space<vmem>>, vector<16xf32>,
      %mul3A_32 = arith.mulf %gather3A, %get3A_31 : vector<16xf32>
      %swap3A = arith.index_cast %add3A_26 : i32 to index
      %swap3A_33 = arith.constant 0 : index
      %swap3A_34 = tpu.vector_load %arg11[%swap3A, %swap3A_33] {strides = array<i32>} : memref<80x128xf32, #tpu.memory_space<vmem>>, vector<16xf32>,
      tpu.vector_store %arg11[%swap3A, %swap3A_33], %mul3A_32 {strides = array<i32>} : memref<80x128xf32, #tpu.memory_space<vmem>>, vector<16xf32>,
      %get3A_35 = arith.index_cast %add3A_26 : i32 to index
      %get3A_36 = arith.constant 16 : index
      %get3A_37 = tpu.vector_load %arg8[%get3A_35, %get3A_36] {strides = array<i32>} : memref<80x128xi32, #tpu.memory_space<vmem>>, vector<16xi32>,
      %gather3A_38 = tpu.vector_load_idx %arg7[%get3A_37] : memref<10240xf32, #tpu.memory_space<vmem>>[vector<16xi32>], vector<16xf32>,
      %get3A_39 = arith.index_cast %add3A_26 : i32 to index
      %get3A_40 = arith.constant 16 : index
      %get3A_41 = tpu.vector_load %arg10[%get3A_39, %get3A_40] {strides = array<i32>} : memref<80x128xf32, #tpu.memory_space<vmem>>, vector<16xf32>,
      %mul3A_42 = arith.mulf %gather3A_38, %get3A_41 : vector<16xf32>
      %swap3A_43 = arith.index_cast %add3A_26 : i32 to index
      %swap3A_44 = arith.constant 16 : index
      %swap3A_45 = tpu.vector_load %arg11[%swap3A_43, %swap3A_44] {strides = array<i32>} : memref<80x128xf32, #tpu.memory_space<vmem>>, vector<16xf32>,
      tpu.vector_store %arg11[%swap3A_43, %swap3A_44], %mul3A_42 {strides = array<i32>} : memref<80x128xf32, #tpu.memory_space<vmem>>, vector<16xf32>,
      %get3A_46 = arith.index_cast %add3A_26 : i32 to index
      %get3A_47 = arith.constant 32 : index
      %get3A_48 = tpu.vector_load %arg8[%get3A_46, %get3A_47] {strides = array<i32>} : memref<80x128xi32, #tpu.memory_space<vmem>>, vector<16xi32>,
      %gather3A_49 = tpu.vector_load_idx %arg7[%get3A_48] : memref<10240xf32, #tpu.memory_space<vmem>>[vector<16xi32>], vector<16xf32>,
      %get3A_50 = arith.index_cast %add3A_26 : i32 to index
      %get3A_51 = arith.constant 32 : index
      %get3A_52 = tpu.vector_load %arg10[%get3A_50, %get3A_51] {strides = array<i32>} : memref<80x128xf32, #tpu.memory_space<vmem>>, vector<16xf32>,
      %mul3A_53 = arith.mulf %gather3A_49, %get3A_52 : vector<16xf32>
      %swap3A_54 = arith.index_cast %add3A_26 : i32 to index
      %swap3A_55 = arith.constant 32 : index
      %swap3A_56 = tpu.vector_load %arg11[%swap3A_54, %swap3A_55] {strides = array<i32>} : memref<80x128xf32, #tpu.memory_space<vmem>>, vector<16xf32>,
      tpu.vector_store %arg11[%swap3A_54, %swap3A_55], %mul3A_53 {strides = array<i32>} : memref<80x128xf32, #tpu.memory_space<vmem>>, vector<16xf32>,
      %get3A_57 = arith.index_cast %add3A_26 : i32 to index
      %get3A_58 = arith.constant 48 : index
      %get3A_59 = tpu.vector_load %arg8[%get3A_57, %get3A_58] {strides = array<i32>} : memref<80x128xi32, #tpu.memory_space<vmem>>, vector<16xi32>,
      %gather3A_60 = tpu.vector_load_idx %arg7[%get3A_59] : memref<10240xf32, #tpu.memory_space<vmem>>[vector<16xi32>], vector<16xf32>,
      %get3A_61 = arith.index_cast %add3A_26 : i32 to index
      %get3A_62 = arith.constant 48 : index
      %get3A_63 = tpu.vector_load %arg10[%get3A_61, %get3A_62] {strides = array<i32>} : memref<80x128xf32, #tpu.memory_space<vmem>>, vector<16xf32>,
      %mul3A_64 = arith.mulf %gather3A_60, %get3A_63 : vector<16xf32>
      %swap3A_65 = arith.index_cast %add3A_26 : i32 to index
      %swap3A_66 = arith.constant 48 : index
      %swap3A_67 = tpu.vector_load %arg11[%swap3A_65, %swap3A_66] {strides = array<i32>} : memref<80x128xf32, #tpu.memory_space<vmem>>, vector<16xf32>,
      tpu.vector_store %arg11[%swap3A_65, %swap3A_66], %mul3A_64 {strides = array<i32>} : memref<80x128xf32, #tpu.memory_space<vmem>>, vector<16xf32>,
      %get3A_68 = arith.index_cast %add3A_26 : i32 to index
      %get3A_69 = arith.constant 64 : index
      %get3A_70 = tpu.vector_load %arg8[%get3A_68, %get3A_69] {strides = array<i32>} : memref<80x128xi32, #tpu.memory_space<vmem>>, vector<16xi32>,
      %gather3A_71 = tpu.vector_load_idx %arg7[%get3A_70] : memref<10240xf32, #tpu.memory_space<vmem>>[vector<16xi32>], vector<16xf32>,
      %get3A_72 = arith.index_cast %add3A_26 : i32 to index
      %get3A_73 = arith.constant 64 : index
      %get3A_74 = tpu.vector_load %arg10[%get3A_72, %get3A_73] {strides = array<i32>} : memref<80x128xf32, #tpu.memory_space<vmem>>, vector<16xf32>,
      %mul3A_75 = arith.mulf %gather3A_71, %get3A_74 : vector<16xf32>
      %swap3A_76 = arith.index_cast %add3A_26 : i32 to index
      %swap3A_77 = arith.constant 64 : index
      %swap3A_78 = tpu.vector_load %arg11[%swap3A_76, %swap3A_77] {strides = array<i32>} : memref<80x128xf32, #tpu.memory_space<vmem>>, vector<16xf32>,
      tpu.vector_store %arg11[%swap3A_76, %swap3A_77], %mul3A_75 {strides = array<i32>} : memref<80x128xf32, #tpu.memory_space<vmem>>, vector<16xf32>,
      %get3A_79 = arith.index_cast %add3A_26 : i32 to index
      %get3A_80 = arith.constant 80 : index
      %get3A_81 = tpu.vector_load %arg8[%get3A_79, %get3A_80] {strides = array<i32>} : memref<80x128xi32, #tpu.memory_space<vmem>>, vector<16xi32>,
      %gather3A_82 = tpu.vector_load_idx %arg7[%get3A_81] : memref<10240xf32, #tpu.memory_space<vmem>>[vector<16xi32>], vector<16xf32>,
      %get3A_83 = arith.index_cast %add3A_26 : i32 to index
      %get3A_84 = arith.constant 80 : index
      %get3A_85 = tpu.vector_load %arg10[%get3A_83, %get3A_84] {strides = array<i32>} : memref<80x128xf32, #tpu.memory_space<vmem>>, vector<16xf32>,
      %mul3A_86 = arith.mulf %gather3A_82, %get3A_85 : vector<16xf32>
      %swap3A_87 = arith.index_cast %add3A_26 : i32 to index
      %swap3A_88 = arith.constant 80 : index
      %swap3A_89 = tpu.vector_load %arg11[%swap3A_87, %swap3A_88] {strides = array<i32>} : memref<80x128xf32, #tpu.memory_space<vmem>>, vector<16xf32>,
      tpu.vector_store %arg11[%swap3A_87, %swap3A_88], %mul3A_86 {strides = array<i32>} : memref<80x128xf32, #tpu.memory_space<vmem>>, vector<16xf32>,
      %get3A_90 = arith.index_cast %add3A_26 : i32 to index
      %get3A_91 = arith.constant 96 : index
      %get3A_92 = tpu.vector_load %arg8[%get3A_90, %get3A_91] {strides = array<i32>} : memref<80x128xi32, #tpu.memory_space<vmem>>, vector<16xi32>,
      %gather3A_93 = tpu.vector_load_idx %arg7[%get3A_92] : memref<10240xf32, #tpu.memory_space<vmem>>[vector<16xi32>], vector<16xf32>,
      %get3A_94 = arith.index_cast %add3A_26 : i32 to index
      %get3A_95 = arith.constant 96 : index
      %get3A_96 = tpu.vector_load %arg10[%get3A_94, %get3A_95] {strides = array<i32>} : memref<80x128xf32, #tpu.memory_space<vmem>>, vector<16xf32>,
      %mul3A_97 = arith.mulf %gather3A_93, %get3A_96 : vector<16xf32>
      %swap3A_98 = arith.index_cast %add3A_26 : i32 to index
      %swap3A_99 = arith.constant 96 : index
      %swap3A_100 = tpu.vector_load %arg11[%swap3A_98, %swap3A_99] {strides = array<i32>} : memref<80x128xf32, #tpu.memory_space<vmem>>, vector<16xf32>,
      tpu.vector_store %arg11[%swap3A_98, %swap3A_99], %mul3A_97 {strides = array<i32>} : memref<80x128xf32, #tpu.memory_space<vmem>>, vector<16xf32>,
      %get3A_101 = arith.index_cast %add3A_26 : i32 to index
      %get3A_102 = arith.constant 112 : index
      %get3A_103 = tpu.vector_load %arg8[%get3A_101, %get3A_102] {strides = array<i32>} : memref<80x128xi32, #tpu.memory_space<vmem>>, vector<16xi32>,
      %gather3A_104 = tpu.vector_load_idx %arg7[%get3A_103] : memref<10240xf32, #tpu.memory_space<vmem>>[vector<16xi32>], vector<16xf32>,
      %get3A_105 = arith.index_cast %add3A_26 : i32 to index
      %get3A_106 = arith.constant 112 : index
      %get3A_107 = tpu.vector_load %arg10[%get3A_105, %get3A_106] {strides = array<i32>} : memref<80x128xf32, #tpu.memory_space<vmem>>, vector<16xf32>,
      %mul3A_108 = arith.mulf %gather3A_104, %get3A_107 : vector<16xf32>
      %swap3A_109 = arith.index_cast %add3A_26 : i32 to index
      %swap3A_110 = arith.constant 112 : index
      %swap3A_111 = tpu.vector_load %arg11[%swap3A_109, %swap3A_110] {strides = array<i32>} : memref<80x128xf32, #tpu.memory_space<vmem>>, vector<16xf32>,
      tpu.vector_store %arg11[%swap3A_109, %swap3A_110], %mul3A_108 {strides = array<i32>} : memref<80x128xf32, #tpu.memory_space<vmem>>, vector<16xf32>,
    }
    %scan3A_13 = arith.constant 80 : i32
    %scan3A_14 = arith.constant 0 : i32
    %scan3A_15 = arith.constant 80 : i32
    %scan3A_16 = arith.addi %scan3A_14, %scan3A_15 : i32
    %scan3A_17 = arith.constant 1 : i32
    scf.for %scan3A_22 = %scan3A_14 to %scan3A_16 step %scan3A_17  : i32 {
      %mul3A_23 = arith.constant 1 : i32
      %mul3A_24 = arith.muli %scan3A_22, %mul3A_23 : i32
      %add3A_25 = arith.constant 0 : i32
      %add3A_26 = arith.addi %add3A_25, %mul3A_24 : i32
      "tpu.region"() ({
        %run_scoped3A = tpu.sem_alloc : memref<!tpu.dma_semaphore, #tpu.memory_space<semaphore_mem>>
        %dma_start3A = arith.constant 0 : i32
        %dma_start3A_27 = tpu.memref_slice %arg11[%add3A_26, %dma_start3A] : memref<80x128xf32, #tpu.memory_space<vmem>> -> memref<1x128xf32, #tpu.memory_space<vmem>>
        %dma_start3A_28 = tpu.memref_squeeze %dma_start3A_27 : memref<1x128xf32, #tpu.memory_space<vmem>> -> memref<128xf32, #tpu.memory_space<vmem>>
        %dma_start3A_29 = arith.constant 0 : i32
        %dma_start3A_30 = tpu.memref_slice %arg9[%add3A_26, %dma_start3A_29] : memref<80x128xi32, #tpu.memory_space<vmem>> -> memref<1x128xi32, #tpu.memory_space<vmem>>
        %dma_start3A_31 = tpu.memref_squeeze %dma_start3A_30 : memref<1x128xi32, #tpu.memory_space<vmem>> -> memref<128xi32, #tpu.memory_space<vmem>>
        %dma_start3A_32 = arith.constant 0 : i32
        %dma_start3A_33 = tpu.memref_slice %arg13[%dma_start3A_32] : memref<10240xf32, #tpu.memory_space<vmem_shared>> -> memref<10240xf32, #tpu.memory_space<vmem_shared>>
        tpu.enqueue_indirect_dma source(%dma_start3A_28 : memref<128xf32, #tpu.memory_space<vmem>>) target(%dma_start3A_33 : memref<10240xf32, #tpu.memory_space<vmem_shared>>) offsets(%dma_start3A_31 : memref<128xi32, #tpu.memory_space<vmem>>) semaphore(%run_scoped3A : memref<!tpu.dma_semaphore, #tpu.memory_space<semaphore_mem>>) {add = true}
        %dma_wait3A = arith.constant 0 : i32
        %dma_wait3A_34 = tpu.memref_slice %arg11[%add3A_26, %dma_wait3A] : memref<80x128xf32, #tpu.memory_space<vmem>> -> memref<1x128xf32, #tpu.memory_space<vmem>>
        %dma_wait3A_35 = tpu.memref_squeeze %dma_wait3A_34 : memref<1x128xf32, #tpu.memory_space<vmem>> -> memref<128xf32, #tpu.memory_space<vmem>>
        %dma_wait3A_36 = arith.constant 0 : i32
        %dma_wait3A_37 = tpu.memref_slice %arg9[%add3A_26, %dma_wait3A_36] : memref<80x128xi32, #tpu.memory_space<vmem>> -> memref<1x128xi32, #tpu.memory_space<vmem>>
        %dma_wait3A_38 = tpu.memref_squeeze %dma_wait3A_37 : memref<1x128xi32, #tpu.memory_space<vmem>> -> memref<128xi32, #tpu.memory_space<vmem>>
        %dma_wait3A_39 = arith.constant 0 : i32
        %dma_wait3A_40 = tpu.memref_slice %arg13[%dma_wait3A_39] : memref<10240xf32, #tpu.memory_space<vmem_shared>> -> memref<10240xf32, #tpu.memory_space<vmem_shared>>
        tpu.wait_indirect_dma semaphore(%run_scoped3A : memref<!tpu.dma_semaphore, #tpu.memory_space<semaphore_mem>>) src(%dma_wait3A_35 : memref<128xf32, #tpu.memory_space<vmem>>) dst(%dma_wait3A_40 : memref<10240xf32, #tpu.memory_space<vmem_shared>>)
        tpu.yield
      }) : () -> ()
    }
    %scan3A_18 = arith.constant 80 : i32
    %barrier3A_19 = arith.constant 0 : index
    tpu.barrier barrier_id(%barrier3A_19)
    %eq3A = arith.constant 0 : i32
    %eq3A_20 = arith.cmpi eq, %arg1, %eq3A : i32
    %convert_element_type3A = arith.extui %eq3A_20 : i1 to i32
    %cond3A = arith.constant 0 : i32
    %cond3A_21 = arith.cmpi ne, %convert_element_type3A, %cond3A : i32
    scf.if %cond3A_21 {
      "tpu.region"() ({
        %run_scoped3A = tpu.sem_alloc : memref<!tpu.dma_semaphore, #tpu.memory_space<semaphore_mem>>
        %dma_start3A = arith.constant 0 : i32
        %dma_start3A_22 = tpu.memref_slice %arg6[%arg0, %dma_start3A] : memref<2x10240xf32, #tpu.memory_space<hbm>> -> memref<1x10240xf32, #tpu.memory_space<hbm>>
        %dma_start3A_23 = tpu.memref_squeeze %dma_start3A_22 : memref<1x10240xf32, #tpu.memory_space<hbm>> -> memref<10240xf32, #tpu.memory_space<hbm>>
        tpu.enqueue_dma source(%arg13 : memref<10240xf32, #tpu.memory_space<vmem_shared>>) target(%dma_start3A_23 : memref<10240xf32, #tpu.memory_space<hbm>>) target_semaphore(%run_scoped3A : memref<!tpu.dma_semaphore, #tpu.memory_space<semaphore_mem>>)
        %dma_wait3A = arith.constant 0 : i32
        %dma_wait3A_24 = tpu.memref_slice %arg6[%arg0, %dma_wait3A] : memref<2x10240xf32, #tpu.memory_space<hbm>> -> memref<1x10240xf32, #tpu.memory_space<hbm>>
        %dma_wait3A_25 = tpu.memref_squeeze %dma_wait3A_24 : memref<1x10240xf32, #tpu.memory_space<hbm>> -> memref<10240xf32, #tpu.memory_space<hbm>>
        tpu.wait_dma2 semaphore(%run_scoped3A : memref<!tpu.dma_semaphore, #tpu.memory_space<semaphore_mem>>) src(%arg13 : memref<10240xf32, #tpu.memory_space<vmem_shared>>) dst(%dma_wait3A_25 : memref<10240xf32, #tpu.memory_space<hbm>>)
        tpu.yield
      }) : () -> ()
    } else {
    }
    return
  }
}

#map = affine_map<(d0, d1) -> (0, 0)>
#map1 = affine_map<(d0, d1) -> (0)>
#map2 = affine_map<(d0, d1) -> (0, 0, 0)>
module attributes {stable_mosaic.version = 14 : i64} {
  func.func @_sc_layer1(%arg0: i32, %arg1: i32, %arg2: memref<2560x128xi32, #tpu.memory_space<hbm>>, %arg3: memref<2560x128xi32, #tpu.memory_space<hbm>>, %arg4: memref<2560x128xf32, #tpu.memory_space<hbm>>, %arg5: memref<10240xf32, #tpu.memory_space<hbm>>, %arg6: memref<2x10240xf32, #tpu.memory_space<hbm>>, %arg7: memref<2x2x10240xf32, #tpu.memory_space<hbm>>, %arg8: memref<2560x128xf32, #tpu.memory_space<hbm>>, %arg9: memref<10240xf32, #tpu.memory_space<vmem>>, %arg10: memref<10240xf32, #tpu.memory_space<vmem>>, %arg11: memref<10240xf32, #tpu.memory_space<vmem>>, %arg12: memref<80x128xi32, #tpu.memory_space<vmem>>, %arg13: memref<80x128xi32, #tpu.memory_space<vmem>>, %arg14: memref<80x128xf32, #tpu.memory_space<vmem>>, %arg15: memref<80x128xf32, #tpu.memory_space<vmem>>, %arg16: memref<80x128xf32, #tpu.memory_space<vmem>>, %arg17: memref<80x128xf32, #tpu.memory_space<vmem>>, %arg18: memref<640xf32, #tpu.memory_space<vmem>>, %arg19: memref<10240xf32, #tpu.memory_space<vmem_shared>>, %arg20: memref<10240xf32, #tpu.memory_space<vmem_shared>>) attributes {dimension_semantics = [#tpu.dimension_semantics<core_parallel>, #tpu.dimension_semantics<subcore_parallel>], iteration_bounds = array<i64: 2, 16>, scalar_prefetch = 0 : i64, scratch_operands = 12 : i64, tpu.core_type = #tpu.core_type<sc_vector_subcore>, window_params = [{transform_indices = #map}, {transform_indices = #map}, {transform_indices = #map}, {transform_indices = #map1}, {transform_indices = #map}, {transform_indices = #map2}, {transform_indices = #map}]} {
    %mul3A = arith.constant 16 : i32
    %mul3A_0 = arith.muli %arg0, %mul3A : i32
    %add3A = arith.addi %mul3A_0, %arg1 : i32
    %mul3A_1 = arith.constant 80 : i32
    %mul3A_2 = arith.muli %add3A, %mul3A_1 : i32
    %scan3A = arith.constant 0 : i32
    %scan3A_3 = arith.constant 40 : i32
    %scan3A_4 = arith.addi %scan3A, %scan3A_3 : i32
    %scan3A_5 = arith.constant 1 : i32
    scf.for %scan3A_25 = %scan3A to %scan3A_4 step %scan3A_5  : i32 {
      %mul3A_26 = arith.constant 16 : i32
      %mul3A_27 = arith.muli %scan3A_25, %mul3A_26 : i32
      %add3A_28 = arith.constant 0 : i32
      %add3A_29 = arith.addi %add3A_28, %mul3A_27 : i32
      %broadcast_in_dim3A = arith.constant 0.000000e+00 : f32
      %broadcast_in_dim3A_30 = vector.broadcast %broadcast_in_dim3A : f32 to vector<16xf32>
      %swap3A = arith.index_cast %add3A_29 : i32 to index
      %swap3A_31 = tpu.vector_load %arg18[%swap3A] {strides = array<i32>} : memref<640xf32, #tpu.memory_space<vmem>>, vector<16xf32>,
      tpu.vector_store %arg18[%swap3A], %broadcast_in_dim3A_30 {strides = array<i32>} : memref<640xf32, #tpu.memory_space<vmem>>, vector<16xf32>,
    }
    %scan3A_6 = arith.constant 40 : i32
    %mul3A_7 = arith.constant 640 : i32
    %mul3A_8 = arith.muli %arg1, %mul3A_7 : i32
    "tpu.region"() ({
      %run_scoped3A_25 = tpu.sem_alloc : memref<!tpu.dma_semaphore, #tpu.memory_space<semaphore_mem>>
      %dma_start3A = tpu.memref_slice %arg19[%mul3A_8] : memref<10240xf32, #tpu.memory_space<vmem_shared>> -> memref<640xf32, #tpu.memory_space<vmem_shared>>
      %dma_start3A_26 = tpu.memref_slice %arg19[%mul3A_8] : memref<10240xf32, #tpu.memory_space<vmem_shared>> -> memref<640xf32, #tpu.memory_space<vmem_shared>>
      tpu.enqueue_dma source(%arg18 : memref<640xf32, #tpu.memory_space<vmem>>) target(%dma_start3A_26 : memref<640xf32, #tpu.memory_space<vmem_shared>>) target_semaphore(%run_scoped3A_25 : memref<!tpu.dma_semaphore, #tpu.memory_space<semaphore_mem>>)
      %dma_wait3A = tpu.memref_slice %arg19[%mul3A_8] : memref<10240xf32, #tpu.memory_space<vmem_shared>> -> memref<640xf32, #tpu.memory_space<vmem_shared>>
      %dma_wait3A_27 = tpu.memref_slice %arg19[%mul3A_8] : memref<10240xf32, #tpu.memory_space<vmem_shared>> -> memref<640xf32, #tpu.memory_space<vmem_shared>>
      tpu.wait_dma2 semaphore(%run_scoped3A_25 : memref<!tpu.dma_semaphore, #tpu.memory_space<semaphore_mem>>) src(%arg18 : memref<640xf32, #tpu.memory_space<vmem>>) dst(%dma_wait3A_27 : memref<640xf32, #tpu.memory_space<vmem_shared>>)
      tpu.yield
    }) : () -> ()
    %mul3A_9 = arith.constant 640 : i32
    %mul3A_10 = arith.muli %arg1, %mul3A_9 : i32
    "tpu.region"() ({
      %run_scoped3A_25 = tpu.sem_alloc : memref<!tpu.dma_semaphore, #tpu.memory_space<semaphore_mem>>
      %dma_start3A = tpu.memref_slice %arg20[%mul3A_10] : memref<10240xf32, #tpu.memory_space<vmem_shared>> -> memref<640xf32, #tpu.memory_space<vmem_shared>>
      %dma_start3A_26 = tpu.memref_slice %arg20[%mul3A_10] : memref<10240xf32, #tpu.memory_space<vmem_shared>> -> memref<640xf32, #tpu.memory_space<vmem_shared>>
      tpu.enqueue_dma source(%arg18 : memref<640xf32, #tpu.memory_space<vmem>>) target(%dma_start3A_26 : memref<640xf32, #tpu.memory_space<vmem_shared>>) target_semaphore(%run_scoped3A_25 : memref<!tpu.dma_semaphore, #tpu.memory_space<semaphore_mem>>)
      %dma_wait3A = tpu.memref_slice %arg20[%mul3A_10] : memref<10240xf32, #tpu.memory_space<vmem_shared>> -> memref<640xf32, #tpu.memory_space<vmem_shared>>
      %dma_wait3A_27 = tpu.memref_slice %arg20[%mul3A_10] : memref<10240xf32, #tpu.memory_space<vmem_shared>> -> memref<640xf32, #tpu.memory_space<vmem_shared>>
      tpu.wait_dma2 semaphore(%run_scoped3A_25 : memref<!tpu.dma_semaphore, #tpu.memory_space<semaphore_mem>>) src(%arg18 : memref<640xf32, #tpu.memory_space<vmem>>) dst(%dma_wait3A_27 : memref<640xf32, #tpu.memory_space<vmem_shared>>)
      tpu.yield
    }) : () -> ()
    "tpu.region"() ({
      %run_scoped3A_25 = tpu.sem_alloc : memref<!tpu.dma_semaphore, #tpu.memory_space<semaphore_mem>>
      tpu.enqueue_dma source(%arg5 : memref<10240xf32, #tpu.memory_space<hbm>>) target(%arg9 : memref<10240xf32, #tpu.memory_space<vmem>>) target_semaphore(%run_scoped3A_25 : memref<!tpu.dma_semaphore, #tpu.memory_space<semaphore_mem>>)
      tpu.wait_dma2 semaphore(%run_scoped3A_25 : memref<!tpu.dma_semaphore, #tpu.memory_space<semaphore_mem>>) src(%arg5 : memref<10240xf32, #tpu.memory_space<hbm>>) dst(%arg9 : memref<10240xf32, #tpu.memory_space<vmem>>)
      tpu.yield
    }) : () -> ()
    %run_scoped3A = arith.constant 0 : i32
    "tpu.region"() ({
      %run_scoped3A_25 = tpu.sem_alloc : memref<!tpu.dma_semaphore, #tpu.memory_space<semaphore_mem>>
      %dma_start3A = arith.constant 0 : i32
      %dma_start3A_26 = tpu.memref_slice %arg6[%run_scoped3A, %dma_start3A] : memref<2x10240xf32, #tpu.memory_space<hbm>> -> memref<1x10240xf32, #tpu.memory_space<hbm>>
      %dma_start3A_27 = tpu.memref_squeeze %dma_start3A_26 : memref<1x10240xf32, #tpu.memory_space<hbm>> -> memref<10240xf32, #tpu.memory_space<hbm>>
      %dma_start3A_28 = arith.constant 0 : i32
      %dma_start3A_29 = tpu.memref_slice %arg6[%run_scoped3A, %dma_start3A_28] : memref<2x10240xf32, #tpu.memory_space<hbm>> -> memref<1x10240xf32, #tpu.memory_space<hbm>>
      %dma_start3A_30 = tpu.memref_squeeze %dma_start3A_29 : memref<1x10240xf32, #tpu.memory_space<hbm>> -> memref<10240xf32, #tpu.memory_space<hbm>>
      tpu.enqueue_dma source(%dma_start3A_30 : memref<10240xf32, #tpu.memory_space<hbm>>) target(%arg10 : memref<10240xf32, #tpu.memory_space<vmem>>) target_semaphore(%run_scoped3A_25 : memref<!tpu.dma_semaphore, #tpu.memory_space<semaphore_mem>>)
      %dma_wait3A = arith.constant 0 : i32
      %dma_wait3A_31 = tpu.memref_slice %arg6[%run_scoped3A, %dma_wait3A] : memref<2x10240xf32, #tpu.memory_space<hbm>> -> memref<1x10240xf32, #tpu.memory_space<hbm>>
      %dma_wait3A_32 = tpu.memref_squeeze %dma_wait3A_31 : memref<1x10240xf32, #tpu.memory_space<hbm>> -> memref<10240xf32, #tpu.memory_space<hbm>>
      %dma_wait3A_33 = arith.constant 0 : i32
      %dma_wait3A_34 = tpu.memref_slice %arg6[%run_scoped3A, %dma_wait3A_33] : memref<2x10240xf32, #tpu.memory_space<hbm>> -> memref<1x10240xf32, #tpu.memory_space<hbm>>
      %dma_wait3A_35 = tpu.memref_squeeze %dma_wait3A_34 : memref<1x10240xf32, #tpu.memory_space<hbm>> -> memref<10240xf32, #tpu.memory_space<hbm>>
      tpu.wait_dma2 semaphore(%run_scoped3A_25 : memref<!tpu.dma_semaphore, #tpu.memory_space<semaphore_mem>>) src(%dma_wait3A_35 : memref<10240xf32, #tpu.memory_space<hbm>>) dst(%arg10 : memref<10240xf32, #tpu.memory_space<vmem>>)
      tpu.yield
    }) : () -> ()
    %run_scoped3A_11 = arith.constant 1 : i32
    "tpu.region"() ({
      %run_scoped3A_25 = tpu.sem_alloc : memref<!tpu.dma_semaphore, #tpu.memory_space<semaphore_mem>>
      %dma_start3A = arith.constant 0 : i32
      %dma_start3A_26 = tpu.memref_slice %arg6[%run_scoped3A_11, %dma_start3A] : memref<2x10240xf32, #tpu.memory_space<hbm>> -> memref<1x10240xf32, #tpu.memory_space<hbm>>
      %dma_start3A_27 = tpu.memref_squeeze %dma_start3A_26 : memref<1x10240xf32, #tpu.memory_space<hbm>> -> memref<10240xf32, #tpu.memory_space<hbm>>
      %dma_start3A_28 = arith.constant 0 : i32
      %dma_start3A_29 = tpu.memref_slice %arg6[%run_scoped3A_11, %dma_start3A_28] : memref<2x10240xf32, #tpu.memory_space<hbm>> -> memref<1x10240xf32, #tpu.memory_space<hbm>>
      %dma_start3A_30 = tpu.memref_squeeze %dma_start3A_29 : memref<1x10240xf32, #tpu.memory_space<hbm>> -> memref<10240xf32, #tpu.memory_space<hbm>>
      tpu.enqueue_dma source(%dma_start3A_30 : memref<10240xf32, #tpu.memory_space<hbm>>) target(%arg11 : memref<10240xf32, #tpu.memory_space<vmem>>) target_semaphore(%run_scoped3A_25 : memref<!tpu.dma_semaphore, #tpu.memory_space<semaphore_mem>>)
      %dma_wait3A = arith.constant 0 : i32
      %dma_wait3A_31 = tpu.memref_slice %arg6[%run_scoped3A_11, %dma_wait3A] : memref<2x10240xf32, #tpu.memory_space<hbm>> -> memref<1x10240xf32, #tpu.memory_space<hbm>>
      %dma_wait3A_32 = tpu.memref_squeeze %dma_wait3A_31 : memref<1x10240xf32, #tpu.memory_space<hbm>> -> memref<10240xf32, #tpu.memory_space<hbm>>
      %dma_wait3A_33 = arith.constant 0 : i32
      %dma_wait3A_34 = tpu.memref_slice %arg6[%run_scoped3A_11, %dma_wait3A_33] : memref<2x10240xf32, #tpu.memory_space<hbm>> -> memref<1x10240xf32, #tpu.memory_space<hbm>>
      %dma_wait3A_35 = tpu.memref_squeeze %dma_wait3A_34 : memref<1x10240xf32, #tpu.memory_space<hbm>> -> memref<10240xf32, #tpu.memory_space<hbm>>
      tpu.wait_dma2 semaphore(%run_scoped3A_25 : memref<!tpu.dma_semaphore, #tpu.memory_space<semaphore_mem>>) src(%dma_wait3A_35 : memref<10240xf32, #tpu.memory_space<hbm>>) dst(%arg11 : memref<10240xf32, #tpu.memory_space<vmem>>)
      tpu.yield
    }) : () -> ()
    "tpu.region"() ({
      %run_scoped3A_25 = tpu.sem_alloc : memref<!tpu.dma_semaphore, #tpu.memory_space<semaphore_mem>>
      %dma_start3A = arith.constant 0 : i32
      %dma_start3A_26 = tpu.memref_slice %arg2[%mul3A_2, %dma_start3A] : memref<2560x128xi32, #tpu.memory_space<hbm>> -> memref<80x128xi32, #tpu.memory_space<hbm>>
      %dma_start3A_27 = arith.constant 0 : i32
      %dma_start3A_28 = tpu.memref_slice %arg2[%mul3A_2, %dma_start3A_27] : memref<2560x128xi32, #tpu.memory_space<hbm>> -> memref<80x128xi32, #tpu.memory_space<hbm>>
      tpu.enqueue_dma source(%dma_start3A_28 : memref<80x128xi32, #tpu.memory_space<hbm>>) target(%arg12 : memref<80x128xi32, #tpu.memory_space<vmem>>) target_semaphore(%run_scoped3A_25 : memref<!tpu.dma_semaphore, #tpu.memory_space<semaphore_mem>>)
      %dma_wait3A = arith.constant 0 : i32
      %dma_wait3A_29 = tpu.memref_slice %arg2[%mul3A_2, %dma_wait3A] : memref<2560x128xi32, #tpu.memory_space<hbm>> -> memref<80x128xi32, #tpu.memory_space<hbm>>
      %dma_wait3A_30 = arith.constant 0 : i32
      %dma_wait3A_31 = tpu.memref_slice %arg2[%mul3A_2, %dma_wait3A_30] : memref<2560x128xi32, #tpu.memory_space<hbm>> -> memref<80x128xi32, #tpu.memory_space<hbm>>
      tpu.wait_dma2 semaphore(%run_scoped3A_25 : memref<!tpu.dma_semaphore, #tpu.memory_space<semaphore_mem>>) src(%dma_wait3A_31 : memref<80x128xi32, #tpu.memory_space<hbm>>) dst(%arg12 : memref<80x128xi32, #tpu.memory_space<vmem>>)
      tpu.yield
    }) : () -> ()
    "tpu.region"() ({
      %run_scoped3A_25 = tpu.sem_alloc : memref<!tpu.dma_semaphore, #tpu.memory_space<semaphore_mem>>
      %dma_start3A = arith.constant 0 : i32
      %dma_start3A_26 = tpu.memref_slice %arg3[%mul3A_2, %dma_start3A] : memref<2560x128xi32, #tpu.memory_space<hbm>> -> memref<80x128xi32, #tpu.memory_space<hbm>>
      %dma_start3A_27 = arith.constant 0 : i32
      %dma_start3A_28 = tpu.memref_slice %arg3[%mul3A_2, %dma_start3A_27] : memref<2560x128xi32, #tpu.memory_space<hbm>> -> memref<80x128xi32, #tpu.memory_space<hbm>>
      tpu.enqueue_dma source(%dma_start3A_28 : memref<80x128xi32, #tpu.memory_space<hbm>>) target(%arg13 : memref<80x128xi32, #tpu.memory_space<vmem>>) target_semaphore(%run_scoped3A_25 : memref<!tpu.dma_semaphore, #tpu.memory_space<semaphore_mem>>)
      %dma_wait3A = arith.constant 0 : i32
      %dma_wait3A_29 = tpu.memref_slice %arg3[%mul3A_2, %dma_wait3A] : memref<2560x128xi32, #tpu.memory_space<hbm>> -> memref<80x128xi32, #tpu.memory_space<hbm>>
      %dma_wait3A_30 = arith.constant 0 : i32
      %dma_wait3A_31 = tpu.memref_slice %arg3[%mul3A_2, %dma_wait3A_30] : memref<2560x128xi32, #tpu.memory_space<hbm>> -> memref<80x128xi32, #tpu.memory_space<hbm>>
      tpu.wait_dma2 semaphore(%run_scoped3A_25 : memref<!tpu.dma_semaphore, #tpu.memory_space<semaphore_mem>>) src(%dma_wait3A_31 : memref<80x128xi32, #tpu.memory_space<hbm>>) dst(%arg13 : memref<80x128xi32, #tpu.memory_space<vmem>>)
      tpu.yield
    }) : () -> ()
    "tpu.region"() ({
      %run_scoped3A_25 = tpu.sem_alloc : memref<!tpu.dma_semaphore, #tpu.memory_space<semaphore_mem>>
      %dma_start3A = arith.constant 0 : i32
      %dma_start3A_26 = tpu.memref_slice %arg4[%mul3A_2, %dma_start3A] : memref<2560x128xf32, #tpu.memory_space<hbm>> -> memref<80x128xf32, #tpu.memory_space<hbm>>
      %dma_start3A_27 = arith.constant 0 : i32
      %dma_start3A_28 = tpu.memref_slice %arg4[%mul3A_2, %dma_start3A_27] : memref<2560x128xf32, #tpu.memory_space<hbm>> -> memref<80x128xf32, #tpu.memory_space<hbm>>
      tpu.enqueue_dma source(%dma_start3A_28 : memref<80x128xf32, #tpu.memory_space<hbm>>) target(%arg14 : memref<80x128xf32, #tpu.memory_space<vmem>>) target_semaphore(%run_scoped3A_25 : memref<!tpu.dma_semaphore, #tpu.memory_space<semaphore_mem>>)
      %dma_wait3A = arith.constant 0 : i32
      %dma_wait3A_29 = tpu.memref_slice %arg4[%mul3A_2, %dma_wait3A] : memref<2560x128xf32, #tpu.memory_space<hbm>> -> memref<80x128xf32, #tpu.memory_space<hbm>>
      %dma_wait3A_30 = arith.constant 0 : i32
      %dma_wait3A_31 = tpu.memref_slice %arg4[%mul3A_2, %dma_wait3A_30] : memref<2560x128xf32, #tpu.memory_space<hbm>> -> memref<80x128xf32, #tpu.memory_space<hbm>>
      tpu.wait_dma2 semaphore(%run_scoped3A_25 : memref<!tpu.dma_semaphore, #tpu.memory_space<semaphore_mem>>) src(%dma_wait3A_31 : memref<80x128xf32, #tpu.memory_space<hbm>>) dst(%arg14 : memref<80x128xf32, #tpu.memory_space<vmem>>)
      tpu.yield
    }) : () -> ()
    %barrier3A = arith.constant 0 : index
    tpu.barrier barrier_id(%barrier3A)
    %scan3A_12 = arith.constant 0 : i32
    %scan3A_13 = arith.constant 80 : i32
    %scan3A_14 = arith.addi %scan3A_12, %scan3A_13 : i32
    %scan3A_15 = arith.constant 1 : i32
    scf.for %scan3A_25 = %scan3A_12 to %scan3A_14 step %scan3A_15  : i32 {
      %mul3A_26 = arith.constant 1 : i32
      %mul3A_27 = arith.muli %scan3A_25, %mul3A_26 : i32
      %add3A_28 = arith.constant 0 : i32
      %add3A_29 = arith.addi %add3A_28, %mul3A_27 : i32
      %get3A = arith.index_cast %add3A_29 : i32 to index
      %get3A_30 = arith.constant 0 : index
      %get3A_31 = tpu.vector_load %arg12[%get3A, %get3A_30] {strides = array<i32>} : memref<80x128xi32, #tpu.memory_space<vmem>>, vector<16xi32>,
      %get3A_32 = arith.index_cast %add3A_29 : i32 to index
      %get3A_33 = arith.constant 0 : index
      %get3A_34 = tpu.vector_load %arg13[%get3A_32, %get3A_33] {strides = array<i32>} : memref<80x128xi32, #tpu.memory_space<vmem>>, vector<16xi32>,
      %get3A_35 = arith.index_cast %add3A_29 : i32 to index
      %get3A_36 = arith.constant 0 : index
      %get3A_37 = tpu.vector_load %arg14[%get3A_35, %get3A_36] {strides = array<i32>} : memref<80x128xf32, #tpu.memory_space<vmem>>, vector<16xf32>,
      %gather3A = tpu.vector_load_idx %arg9[%get3A_31] : memref<10240xf32, #tpu.memory_space<vmem>>[vector<16xi32>], vector<16xf32>,
      %mul3A_38 = arith.mulf %gather3A, %get3A_37 : vector<16xf32>
      %gather3A_39 = tpu.vector_load_idx %arg9[%get3A_34] : memref<10240xf32, #tpu.memory_space<vmem>>[vector<16xi32>], vector<16xf32>,
      %mul3A_40 = arith.mulf %mul3A_38, %gather3A_39 : vector<16xf32>
      %swap3A = arith.index_cast %add3A_29 : i32 to index
      %swap3A_41 = arith.constant 0 : index
      %swap3A_42 = tpu.vector_load %arg15[%swap3A, %swap3A_41] {strides = array<i32>} : memref<80x128xf32, #tpu.memory_space<vmem>>, vector<16xf32>,
      tpu.vector_store %arg15[%swap3A, %swap3A_41], %mul3A_40 {strides = array<i32>} : memref<80x128xf32, #tpu.memory_space<vmem>>, vector<16xf32>,
      %gather3A_43 = tpu.vector_load_idx %arg10[%get3A_31] : memref<10240xf32, #tpu.memory_space<vmem>>[vector<16xi32>], vector<16xf32>,
      %mul3A_44 = arith.mulf %gather3A_43, %mul3A_40 : vector<16xf32>
      %swap3A_45 = arith.index_cast %add3A_29 : i32 to index
      %swap3A_46 = arith.constant 0 : index
      %swap3A_47 = tpu.vector_load %arg16[%swap3A_45, %swap3A_46] {strides = array<i32>} : memref<80x128xf32, #tpu.memory_space<vmem>>, vector<16xf32>,
      tpu.vector_store %arg16[%swap3A_45, %swap3A_46], %mul3A_44 {strides = array<i32>} : memref<80x128xf32, #tpu.memory_space<vmem>>, vector<16xf32>,
      %gather3A_48 = tpu.vector_load_idx %arg11[%get3A_31] : memref<10240xf32, #tpu.memory_space<vmem>>[vector<16xi32>], vector<16xf32>,
      %mul3A_49 = arith.mulf %gather3A_48, %mul3A_40 : vector<16xf32>
      %swap3A_50 = arith.index_cast %add3A_29 : i32 to index
      %swap3A_51 = arith.constant 0 : index
      %swap3A_52 = tpu.vector_load %arg17[%swap3A_50, %swap3A_51] {strides = array<i32>} : memref<80x128xf32, #tpu.memory_space<vmem>>, vector<16xf32>,
      tpu.vector_store %arg17[%swap3A_50, %swap3A_51], %mul3A_49 {strides = array<i32>} : memref<80x128xf32, #tpu.memory_space<vmem>>, vector<16xf32>,
      %get3A_53 = arith.index_cast %add3A_29 : i32 to index
      %get3A_54 = arith.constant 16 : index
      %get3A_55 = tpu.vector_load %arg12[%get3A_53, %get3A_54] {strides = array<i32>} : memref<80x128xi32, #tpu.memory_space<vmem>>, vector<16xi32>,
      %get3A_56 = arith.index_cast %add3A_29 : i32 to index
      %get3A_57 = arith.constant 16 : index
      %get3A_58 = tpu.vector_load %arg13[%get3A_56, %get3A_57] {strides = array<i32>} : memref<80x128xi32, #tpu.memory_space<vmem>>, vector<16xi32>,
      %get3A_59 = arith.index_cast %add3A_29 : i32 to index
      %get3A_60 = arith.constant 16 : index
      %get3A_61 = tpu.vector_load %arg14[%get3A_59, %get3A_60] {strides = array<i32>} : memref<80x128xf32, #tpu.memory_space<vmem>>, vector<16xf32>,
      %gather3A_62 = tpu.vector_load_idx %arg9[%get3A_55] : memref<10240xf32, #tpu.memory_space<vmem>>[vector<16xi32>], vector<16xf32>,
      %mul3A_63 = arith.mulf %gather3A_62, %get3A_61 : vector<16xf32>
      %gather3A_64 = tpu.vector_load_idx %arg9[%get3A_58] : memref<10240xf32, #tpu.memory_space<vmem>>[vector<16xi32>], vector<16xf32>,
      %mul3A_65 = arith.mulf %mul3A_63, %gather3A_64 : vector<16xf32>
      %swap3A_66 = arith.index_cast %add3A_29 : i32 to index
      %swap3A_67 = arith.constant 16 : index
      %swap3A_68 = tpu.vector_load %arg15[%swap3A_66, %swap3A_67] {strides = array<i32>} : memref<80x128xf32, #tpu.memory_space<vmem>>, vector<16xf32>,
      tpu.vector_store %arg15[%swap3A_66, %swap3A_67], %mul3A_65 {strides = array<i32>} : memref<80x128xf32, #tpu.memory_space<vmem>>, vector<16xf32>,
      %gather3A_69 = tpu.vector_load_idx %arg10[%get3A_55] : memref<10240xf32, #tpu.memory_space<vmem>>[vector<16xi32>], vector<16xf32>,
      %mul3A_70 = arith.mulf %gather3A_69, %mul3A_65 : vector<16xf32>
      %swap3A_71 = arith.index_cast %add3A_29 : i32 to index
      %swap3A_72 = arith.constant 16 : index
      %swap3A_73 = tpu.vector_load %arg16[%swap3A_71, %swap3A_72] {strides = array<i32>} : memref<80x128xf32, #tpu.memory_space<vmem>>, vector<16xf32>,
      tpu.vector_store %arg16[%swap3A_71, %swap3A_72], %mul3A_70 {strides = array<i32>} : memref<80x128xf32, #tpu.memory_space<vmem>>, vector<16xf32>,
      %gather3A_74 = tpu.vector_load_idx %arg11[%get3A_55] : memref<10240xf32, #tpu.memory_space<vmem>>[vector<16xi32>], vector<16xf32>,
      %mul3A_75 = arith.mulf %gather3A_74, %mul3A_65 : vector<16xf32>
      %swap3A_76 = arith.index_cast %add3A_29 : i32 to index
      %swap3A_77 = arith.constant 16 : index
      %swap3A_78 = tpu.vector_load %arg17[%swap3A_76, %swap3A_77] {strides = array<i32>} : memref<80x128xf32, #tpu.memory_space<vmem>>, vector<16xf32>,
      tpu.vector_store %arg17[%swap3A_76, %swap3A_77], %mul3A_75 {strides = array<i32>} : memref<80x128xf32, #tpu.memory_space<vmem>>, vector<16xf32>,
      %get3A_79 = arith.index_cast %add3A_29 : i32 to index
      %get3A_80 = arith.constant 32 : index
      %get3A_81 = tpu.vector_load %arg12[%get3A_79, %get3A_80] {strides = array<i32>} : memref<80x128xi32, #tpu.memory_space<vmem>>, vector<16xi32>,
      %get3A_82 = arith.index_cast %add3A_29 : i32 to index
      %get3A_83 = arith.constant 32 : index
      %get3A_84 = tpu.vector_load %arg13[%get3A_82, %get3A_83] {strides = array<i32>} : memref<80x128xi32, #tpu.memory_space<vmem>>, vector<16xi32>,
      %get3A_85 = arith.index_cast %add3A_29 : i32 to index
      %get3A_86 = arith.constant 32 : index
      %get3A_87 = tpu.vector_load %arg14[%get3A_85, %get3A_86] {strides = array<i32>} : memref<80x128xf32, #tpu.memory_space<vmem>>, vector<16xf32>,
      %gather3A_88 = tpu.vector_load_idx %arg9[%get3A_81] : memref<10240xf32, #tpu.memory_space<vmem>>[vector<16xi32>], vector<16xf32>,
      %mul3A_89 = arith.mulf %gather3A_88, %get3A_87 : vector<16xf32>
      %gather3A_90 = tpu.vector_load_idx %arg9[%get3A_84] : memref<10240xf32, #tpu.memory_space<vmem>>[vector<16xi32>], vector<16xf32>,
      %mul3A_91 = arith.mulf %mul3A_89, %gather3A_90 : vector<16xf32>
      %swap3A_92 = arith.index_cast %add3A_29 : i32 to index
      %swap3A_93 = arith.constant 32 : index
      %swap3A_94 = tpu.vector_load %arg15[%swap3A_92, %swap3A_93] {strides = array<i32>} : memref<80x128xf32, #tpu.memory_space<vmem>>, vector<16xf32>,
      tpu.vector_store %arg15[%swap3A_92, %swap3A_93], %mul3A_91 {strides = array<i32>} : memref<80x128xf32, #tpu.memory_space<vmem>>, vector<16xf32>,
      %gather3A_95 = tpu.vector_load_idx %arg10[%get3A_81] : memref<10240xf32, #tpu.memory_space<vmem>>[vector<16xi32>], vector<16xf32>,
      %mul3A_96 = arith.mulf %gather3A_95, %mul3A_91 : vector<16xf32>
      %swap3A_97 = arith.index_cast %add3A_29 : i32 to index
      %swap3A_98 = arith.constant 32 : index
      %swap3A_99 = tpu.vector_load %arg16[%swap3A_97, %swap3A_98] {strides = array<i32>} : memref<80x128xf32, #tpu.memory_space<vmem>>, vector<16xf32>,
      tpu.vector_store %arg16[%swap3A_97, %swap3A_98], %mul3A_96 {strides = array<i32>} : memref<80x128xf32, #tpu.memory_space<vmem>>, vector<16xf32>,
      %gather3A_100 = tpu.vector_load_idx %arg11[%get3A_81] : memref<10240xf32, #tpu.memory_space<vmem>>[vector<16xi32>], vector<16xf32>,
      %mul3A_101 = arith.mulf %gather3A_100, %mul3A_91 : vector<16xf32>
      %swap3A_102 = arith.index_cast %add3A_29 : i32 to index
      %swap3A_103 = arith.constant 32 : index
      %swap3A_104 = tpu.vector_load %arg17[%swap3A_102, %swap3A_103] {strides = array<i32>} : memref<80x128xf32, #tpu.memory_space<vmem>>, vector<16xf32>,
      tpu.vector_store %arg17[%swap3A_102, %swap3A_103], %mul3A_101 {strides = array<i32>} : memref<80x128xf32, #tpu.memory_space<vmem>>, vector<16xf32>,
      %get3A_105 = arith.index_cast %add3A_29 : i32 to index
      %get3A_106 = arith.constant 48 : index
      %get3A_107 = tpu.vector_load %arg12[%get3A_105, %get3A_106] {strides = array<i32>} : memref<80x128xi32, #tpu.memory_space<vmem>>, vector<16xi32>,
      %get3A_108 = arith.index_cast %add3A_29 : i32 to index
      %get3A_109 = arith.constant 48 : index
      %get3A_110 = tpu.vector_load %arg13[%get3A_108, %get3A_109] {strides = array<i32>} : memref<80x128xi32, #tpu.memory_space<vmem>>, vector<16xi32>,
      %get3A_111 = arith.index_cast %add3A_29 : i32 to index
      %get3A_112 = arith.constant 48 : index
      %get3A_113 = tpu.vector_load %arg14[%get3A_111, %get3A_112] {strides = array<i32>} : memref<80x128xf32, #tpu.memory_space<vmem>>, vector<16xf32>,
      %gather3A_114 = tpu.vector_load_idx %arg9[%get3A_107] : memref<10240xf32, #tpu.memory_space<vmem>>[vector<16xi32>], vector<16xf32>,
      %mul3A_115 = arith.mulf %gather3A_114, %get3A_113 : vector<16xf32>
      %gather3A_116 = tpu.vector_load_idx %arg9[%get3A_110] : memref<10240xf32, #tpu.memory_space<vmem>>[vector<16xi32>], vector<16xf32>,
      %mul3A_117 = arith.mulf %mul3A_115, %gather3A_116 : vector<16xf32>
      %swap3A_118 = arith.index_cast %add3A_29 : i32 to index
      %swap3A_119 = arith.constant 48 : index
      %swap3A_120 = tpu.vector_load %arg15[%swap3A_118, %swap3A_119] {strides = array<i32>} : memref<80x128xf32, #tpu.memory_space<vmem>>, vector<16xf32>,
      tpu.vector_store %arg15[%swap3A_118, %swap3A_119], %mul3A_117 {strides = array<i32>} : memref<80x128xf32, #tpu.memory_space<vmem>>, vector<16xf32>,
      %gather3A_121 = tpu.vector_load_idx %arg10[%get3A_107] : memref<10240xf32, #tpu.memory_space<vmem>>[vector<16xi32>], vector<16xf32>,
      %mul3A_122 = arith.mulf %gather3A_121, %mul3A_117 : vector<16xf32>
      %swap3A_123 = arith.index_cast %add3A_29 : i32 to index
      %swap3A_124 = arith.constant 48 : index
      %swap3A_125 = tpu.vector_load %arg16[%swap3A_123, %swap3A_124] {strides = array<i32>} : memref<80x128xf32, #tpu.memory_space<vmem>>, vector<16xf32>,
      tpu.vector_store %arg16[%swap3A_123, %swap3A_124], %mul3A_122 {strides = array<i32>} : memref<80x128xf32, #tpu.memory_space<vmem>>, vector<16xf32>,
      %gather3A_126 = tpu.vector_load_idx %arg11[%get3A_107] : memref<10240xf32, #tpu.memory_space<vmem>>[vector<16xi32>], vector<16xf32>,
      %mul3A_127 = arith.mulf %gather3A_126, %mul3A_117 : vector<16xf32>
      %swap3A_128 = arith.index_cast %add3A_29 : i32 to index
      %swap3A_129 = arith.constant 48 : index
      %swap3A_130 = tpu.vector_load %arg17[%swap3A_128, %swap3A_129] {strides = array<i32>} : memref<80x128xf32, #tpu.memory_space<vmem>>, vector<16xf32>,
      tpu.vector_store %arg17[%swap3A_128, %swap3A_129], %mul3A_127 {strides = array<i32>} : memref<80x128xf32, #tpu.memory_space<vmem>>, vector<16xf32>,
      %get3A_131 = arith.index_cast %add3A_29 : i32 to index
      %get3A_132 = arith.constant 64 : index
      %get3A_133 = tpu.vector_load %arg12[%get3A_131, %get3A_132] {strides = array<i32>} : memref<80x128xi32, #tpu.memory_space<vmem>>, vector<16xi32>,
      %get3A_134 = arith.index_cast %add3A_29 : i32 to index
      %get3A_135 = arith.constant 64 : index
      %get3A_136 = tpu.vector_load %arg13[%get3A_134, %get3A_135] {strides = array<i32>} : memref<80x128xi32, #tpu.memory_space<vmem>>, vector<16xi32>,
      %get3A_137 = arith.index_cast %add3A_29 : i32 to index
      %get3A_138 = arith.constant 64 : index
      %get3A_139 = tpu.vector_load %arg14[%get3A_137, %get3A_138] {strides = array<i32>} : memref<80x128xf32, #tpu.memory_space<vmem>>, vector<16xf32>,
      %gather3A_140 = tpu.vector_load_idx %arg9[%get3A_133] : memref<10240xf32, #tpu.memory_space<vmem>>[vector<16xi32>], vector<16xf32>,
      %mul3A_141 = arith.mulf %gather3A_140, %get3A_139 : vector<16xf32>
      %gather3A_142 = tpu.vector_load_idx %arg9[%get3A_136] : memref<10240xf32, #tpu.memory_space<vmem>>[vector<16xi32>], vector<16xf32>,
      %mul3A_143 = arith.mulf %mul3A_141, %gather3A_142 : vector<16xf32>
      %swap3A_144 = arith.index_cast %add3A_29 : i32 to index
      %swap3A_145 = arith.constant 64 : index
      %swap3A_146 = tpu.vector_load %arg15[%swap3A_144, %swap3A_145] {strides = array<i32>} : memref<80x128xf32, #tpu.memory_space<vmem>>, vector<16xf32>,
      tpu.vector_store %arg15[%swap3A_144, %swap3A_145], %mul3A_143 {strides = array<i32>} : memref<80x128xf32, #tpu.memory_space<vmem>>, vector<16xf32>,
      %gather3A_147 = tpu.vector_load_idx %arg10[%get3A_133] : memref<10240xf32, #tpu.memory_space<vmem>>[vector<16xi32>], vector<16xf32>,
      %mul3A_148 = arith.mulf %gather3A_147, %mul3A_143 : vector<16xf32>
      %swap3A_149 = arith.index_cast %add3A_29 : i32 to index
      %swap3A_150 = arith.constant 64 : index
      %swap3A_151 = tpu.vector_load %arg16[%swap3A_149, %swap3A_150] {strides = array<i32>} : memref<80x128xf32, #tpu.memory_space<vmem>>, vector<16xf32>,
      tpu.vector_store %arg16[%swap3A_149, %swap3A_150], %mul3A_148 {strides = array<i32>} : memref<80x128xf32, #tpu.memory_space<vmem>>, vector<16xf32>,
      %gather3A_152 = tpu.vector_load_idx %arg11[%get3A_133] : memref<10240xf32, #tpu.memory_space<vmem>>[vector<16xi32>], vector<16xf32>,
      %mul3A_153 = arith.mulf %gather3A_152, %mul3A_143 : vector<16xf32>
      %swap3A_154 = arith.index_cast %add3A_29 : i32 to index
      %swap3A_155 = arith.constant 64 : index
      %swap3A_156 = tpu.vector_load %arg17[%swap3A_154, %swap3A_155] {strides = array<i32>} : memref<80x128xf32, #tpu.memory_space<vmem>>, vector<16xf32>,
      tpu.vector_store %arg17[%swap3A_154, %swap3A_155], %mul3A_153 {strides = array<i32>} : memref<80x128xf32, #tpu.memory_space<vmem>>, vector<16xf32>,
      %get3A_157 = arith.index_cast %add3A_29 : i32 to index
      %get3A_158 = arith.constant 80 : index
      %get3A_159 = tpu.vector_load %arg12[%get3A_157, %get3A_158] {strides = array<i32>} : memref<80x128xi32, #tpu.memory_space<vmem>>, vector<16xi32>,
      %get3A_160 = arith.index_cast %add3A_29 : i32 to index
      %get3A_161 = arith.constant 80 : index
      %get3A_162 = tpu.vector_load %arg13[%get3A_160, %get3A_161] {strides = array<i32>} : memref<80x128xi32, #tpu.memory_space<vmem>>, vector<16xi32>,
      %get3A_163 = arith.index_cast %add3A_29 : i32 to index
      %get3A_164 = arith.constant 80 : index
      %get3A_165 = tpu.vector_load %arg14[%get3A_163, %get3A_164] {strides = array<i32>} : memref<80x128xf32, #tpu.memory_space<vmem>>, vector<16xf32>,
      %gather3A_166 = tpu.vector_load_idx %arg9[%get3A_159] : memref<10240xf32, #tpu.memory_space<vmem>>[vector<16xi32>], vector<16xf32>,
      %mul3A_167 = arith.mulf %gather3A_166, %get3A_165 : vector<16xf32>
      %gather3A_168 = tpu.vector_load_idx %arg9[%get3A_162] : memref<10240xf32, #tpu.memory_space<vmem>>[vector<16xi32>], vector<16xf32>,
      %mul3A_169 = arith.mulf %mul3A_167, %gather3A_168 : vector<16xf32>
      %swap3A_170 = arith.index_cast %add3A_29 : i32 to index
      %swap3A_171 = arith.constant 80 : index
      %swap3A_172 = tpu.vector_load %arg15[%swap3A_170, %swap3A_171] {strides = array<i32>} : memref<80x128xf32, #tpu.memory_space<vmem>>, vector<16xf32>,
      tpu.vector_store %arg15[%swap3A_170, %swap3A_171], %mul3A_169 {strides = array<i32>} : memref<80x128xf32, #tpu.memory_space<vmem>>, vector<16xf32>,
      %gather3A_173 = tpu.vector_load_idx %arg10[%get3A_159] : memref<10240xf32, #tpu.memory_space<vmem>>[vector<16xi32>], vector<16xf32>,
      %mul3A_174 = arith.mulf %gather3A_173, %mul3A_169 : vector<16xf32>
      %swap3A_175 = arith.index_cast %add3A_29 : i32 to index
      %swap3A_176 = arith.constant 80 : index
      %swap3A_177 = tpu.vector_load %arg16[%swap3A_175, %swap3A_176] {strides = array<i32>} : memref<80x128xf32, #tpu.memory_space<vmem>>, vector<16xf32>,
      tpu.vector_store %arg16[%swap3A_175, %swap3A_176], %mul3A_174 {strides = array<i32>} : memref<80x128xf32, #tpu.memory_space<vmem>>, vector<16xf32>,
      %gather3A_178 = tpu.vector_load_idx %arg11[%get3A_159] : memref<10240xf32, #tpu.memory_space<vmem>>[vector<16xi32>], vector<16xf32>,
      %mul3A_179 = arith.mulf %gather3A_178, %mul3A_169 : vector<16xf32>
      %swap3A_180 = arith.index_cast %add3A_29 : i32 to index
      %swap3A_181 = arith.constant 80 : index
      %swap3A_182 = tpu.vector_load %arg17[%swap3A_180, %swap3A_181] {strides = array<i32>} : memref<80x128xf32, #tpu.memory_space<vmem>>, vector<16xf32>,
      tpu.vector_store %arg17[%swap3A_180, %swap3A_181], %mul3A_179 {strides = array<i32>} : memref<80x128xf32, #tpu.memory_space<vmem>>, vector<16xf32>,
      %get3A_183 = arith.index_cast %add3A_29 : i32 to index
      %get3A_184 = arith.constant 96 : index
      %get3A_185 = tpu.vector_load %arg12[%get3A_183, %get3A_184] {strides = array<i32>} : memref<80x128xi32, #tpu.memory_space<vmem>>, vector<16xi32>,
      %get3A_186 = arith.index_cast %add3A_29 : i32 to index
      %get3A_187 = arith.constant 96 : index
      %get3A_188 = tpu.vector_load %arg13[%get3A_186, %get3A_187] {strides = array<i32>} : memref<80x128xi32, #tpu.memory_space<vmem>>, vector<16xi32>,
      %get3A_189 = arith.index_cast %add3A_29 : i32 to index
      %get3A_190 = arith.constant 96 : index
      %get3A_191 = tpu.vector_load %arg14[%get3A_189, %get3A_190] {strides = array<i32>} : memref<80x128xf32, #tpu.memory_space<vmem>>, vector<16xf32>,
      %gather3A_192 = tpu.vector_load_idx %arg9[%get3A_185] : memref<10240xf32, #tpu.memory_space<vmem>>[vector<16xi32>], vector<16xf32>,
      %mul3A_193 = arith.mulf %gather3A_192, %get3A_191 : vector<16xf32>
      %gather3A_194 = tpu.vector_load_idx %arg9[%get3A_188] : memref<10240xf32, #tpu.memory_space<vmem>>[vector<16xi32>], vector<16xf32>,
      %mul3A_195 = arith.mulf %mul3A_193, %gather3A_194 : vector<16xf32>
      %swap3A_196 = arith.index_cast %add3A_29 : i32 to index
      %swap3A_197 = arith.constant 96 : index
      %swap3A_198 = tpu.vector_load %arg15[%swap3A_196, %swap3A_197] {strides = array<i32>} : memref<80x128xf32, #tpu.memory_space<vmem>>, vector<16xf32>,
      tpu.vector_store %arg15[%swap3A_196, %swap3A_197], %mul3A_195 {strides = array<i32>} : memref<80x128xf32, #tpu.memory_space<vmem>>, vector<16xf32>,
      %gather3A_199 = tpu.vector_load_idx %arg10[%get3A_185] : memref<10240xf32, #tpu.memory_space<vmem>>[vector<16xi32>], vector<16xf32>,
      %mul3A_200 = arith.mulf %gather3A_199, %mul3A_195 : vector<16xf32>
      %swap3A_201 = arith.index_cast %add3A_29 : i32 to index
      %swap3A_202 = arith.constant 96 : index
      %swap3A_203 = tpu.vector_load %arg16[%swap3A_201, %swap3A_202] {strides = array<i32>} : memref<80x128xf32, #tpu.memory_space<vmem>>, vector<16xf32>,
      tpu.vector_store %arg16[%swap3A_201, %swap3A_202], %mul3A_200 {strides = array<i32>} : memref<80x128xf32, #tpu.memory_space<vmem>>, vector<16xf32>,
      %gather3A_204 = tpu.vector_load_idx %arg11[%get3A_185] : memref<10240xf32, #tpu.memory_space<vmem>>[vector<16xi32>], vector<16xf32>,
      %mul3A_205 = arith.mulf %gather3A_204, %mul3A_195 : vector<16xf32>
      %swap3A_206 = arith.index_cast %add3A_29 : i32 to index
      %swap3A_207 = arith.constant 96 : index
      %swap3A_208 = tpu.vector_load %arg17[%swap3A_206, %swap3A_207] {strides = array<i32>} : memref<80x128xf32, #tpu.memory_space<vmem>>, vector<16xf32>,
      tpu.vector_store %arg17[%swap3A_206, %swap3A_207], %mul3A_205 {strides = array<i32>} : memref<80x128xf32, #tpu.memory_space<vmem>>, vector<16xf32>,
      %get3A_209 = arith.index_cast %add3A_29 : i32 to index
      %get3A_210 = arith.constant 112 : index
      %get3A_211 = tpu.vector_load %arg12[%get3A_209, %get3A_210] {strides = array<i32>} : memref<80x128xi32, #tpu.memory_space<vmem>>, vector<16xi32>,
      %get3A_212 = arith.index_cast %add3A_29 : i32 to index
      %get3A_213 = arith.constant 112 : index
      %get3A_214 = tpu.vector_load %arg13[%get3A_212, %get3A_213] {strides = array<i32>} : memref<80x128xi32, #tpu.memory_space<vmem>>, vector<16xi32>,
      %get3A_215 = arith.index_cast %add3A_29 : i32 to index
      %get3A_216 = arith.constant 112 : index
      %get3A_217 = tpu.vector_load %arg14[%get3A_215, %get3A_216] {strides = array<i32>} : memref<80x128xf32, #tpu.memory_space<vmem>>, vector<16xf32>,
      %gather3A_218 = tpu.vector_load_idx %arg9[%get3A_211] : memref<10240xf32, #tpu.memory_space<vmem>>[vector<16xi32>], vector<16xf32>,
      %mul3A_219 = arith.mulf %gather3A_218, %get3A_217 : vector<16xf32>
      %gather3A_220 = tpu.vector_load_idx %arg9[%get3A_214] : memref<10240xf32, #tpu.memory_space<vmem>>[vector<16xi32>], vector<16xf32>,
      %mul3A_221 = arith.mulf %mul3A_219, %gather3A_220 : vector<16xf32>
      %swap3A_222 = arith.index_cast %add3A_29 : i32 to index
      %swap3A_223 = arith.constant 112 : index
      %swap3A_224 = tpu.vector_load %arg15[%swap3A_222, %swap3A_223] {strides = array<i32>} : memref<80x128xf32, #tpu.memory_space<vmem>>, vector<16xf32>,
      tpu.vector_store %arg15[%swap3A_222, %swap3A_223], %mul3A_221 {strides = array<i32>} : memref<80x128xf32, #tpu.memory_space<vmem>>, vector<16xf32>,
      %gather3A_225 = tpu.vector_load_idx %arg10[%get3A_211] : memref<10240xf32, #tpu.memory_space<vmem>>[vector<16xi32>], vector<16xf32>,
      %mul3A_226 = arith.mulf %gather3A_225, %mul3A_221 : vector<16xf32>
      %swap3A_227 = arith.index_cast %add3A_29 : i32 to index
      %swap3A_228 = arith.constant 112 : index
      %swap3A_229 = tpu.vector_load %arg16[%swap3A_227, %swap3A_228] {strides = array<i32>} : memref<80x128xf32, #tpu.memory_space<vmem>>, vector<16xf32>,
      tpu.vector_store %arg16[%swap3A_227, %swap3A_228], %mul3A_226 {strides = array<i32>} : memref<80x128xf32, #tpu.memory_space<vmem>>, vector<16xf32>,
      %gather3A_230 = tpu.vector_load_idx %arg11[%get3A_211] : memref<10240xf32, #tpu.memory_space<vmem>>[vector<16xi32>], vector<16xf32>,
      %mul3A_231 = arith.mulf %gather3A_230, %mul3A_221 : vector<16xf32>
      %swap3A_232 = arith.index_cast %add3A_29 : i32 to index
      %swap3A_233 = arith.constant 112 : index
      %swap3A_234 = tpu.vector_load %arg17[%swap3A_232, %swap3A_233] {strides = array<i32>} : memref<80x128xf32, #tpu.memory_space<vmem>>, vector<16xf32>,
      tpu.vector_store %arg17[%swap3A_232, %swap3A_233], %mul3A_231 {strides = array<i32>} : memref<80x128xf32, #tpu.memory_space<vmem>>, vector<16xf32>,
    }
    %scan3A_16 = arith.constant 80 : i32
    "tpu.region"() ({
      %run_scoped3A_25 = tpu.sem_alloc : memref<!tpu.dma_semaphore, #tpu.memory_space<semaphore_mem>>
      %dma_start3A = arith.constant 0 : i32
      %dma_start3A_26 = tpu.memref_slice %arg8[%mul3A_2, %dma_start3A] : memref<2560x128xf32, #tpu.memory_space<hbm>> -> memref<80x128xf32, #tpu.memory_space<hbm>>
      %dma_start3A_27 = arith.constant 0 : i32
      %dma_start3A_28 = tpu.memref_slice %arg8[%mul3A_2, %dma_start3A_27] : memref<2560x128xf32, #tpu.memory_space<hbm>> -> memref<80x128xf32, #tpu.memory_space<hbm>>
      tpu.enqueue_dma source(%arg15 : memref<80x128xf32, #tpu.memory_space<vmem>>) target(%dma_start3A_28 : memref<80x128xf32, #tpu.memory_space<hbm>>) target_semaphore(%run_scoped3A_25 : memref<!tpu.dma_semaphore, #tpu.memory_space<semaphore_mem>>)
      %dma_wait3A = arith.constant 0 : i32
      %dma_wait3A_29 = tpu.memref_slice %arg8[%mul3A_2, %dma_wait3A] : memref<2560x128xf32, #tpu.memory_space<hbm>> -> memref<80x128xf32, #tpu.memory_space<hbm>>
      %dma_wait3A_30 = arith.constant 0 : i32
      %dma_wait3A_31 = tpu.memref_slice %arg8[%mul3A_2, %dma_wait3A_30] : memref<2560x128xf32, #tpu.memory_space<hbm>> -> memref<80x128xf32, #tpu.memory_space<hbm>>
      tpu.wait_dma2 semaphore(%run_scoped3A_25 : memref<!tpu.dma_semaphore, #tpu.memory_space<semaphore_mem>>) src(%arg15 : memref<80x128xf32, #tpu.memory_space<vmem>>) dst(%dma_wait3A_31 : memref<80x128xf32, #tpu.memory_space<hbm>>)
      tpu.yield
    }) : () -> ()
    %scan3A_17 = arith.constant 0 : i32
    %scan3A_18 = arith.constant 80 : i32
    %scan3A_19 = arith.addi %scan3A_17, %scan3A_18 : i32
    %scan3A_20 = arith.constant 1 : i32
    scf.for %scan3A_25 = %scan3A_17 to %scan3A_19 step %scan3A_20  : i32 {
      %mul3A_26 = arith.constant 1 : i32
      %mul3A_27 = arith.muli %scan3A_25, %mul3A_26 : i32
      %add3A_28 = arith.constant 0 : i32
      %add3A_29 = arith.addi %add3A_28, %mul3A_27 : i32
      "tpu.region"() ({
        %run_scoped3A_30 = tpu.sem_alloc : memref<!tpu.dma_semaphore, #tpu.memory_space<semaphore_mem>>
        %dma_start3A = arith.constant 0 : i32
        %dma_start3A_31 = tpu.memref_slice %arg16[%add3A_29, %dma_start3A] : memref<80x128xf32, #tpu.memory_space<vmem>> -> memref<1x128xf32, #tpu.memory_space<vmem>>
        %dma_start3A_32 = tpu.memref_squeeze %dma_start3A_31 : memref<1x128xf32, #tpu.memory_space<vmem>> -> memref<128xf32, #tpu.memory_space<vmem>>
        %dma_start3A_33 = arith.constant 0 : i32
        %dma_start3A_34 = tpu.memref_slice %arg13[%add3A_29, %dma_start3A_33] : memref<80x128xi32, #tpu.memory_space<vmem>> -> memref<1x128xi32, #tpu.memory_space<vmem>>
        %dma_start3A_35 = tpu.memref_squeeze %dma_start3A_34 : memref<1x128xi32, #tpu.memory_space<vmem>> -> memref<128xi32, #tpu.memory_space<vmem>>
        %dma_start3A_36 = arith.constant 0 : i32
        %dma_start3A_37 = tpu.memref_slice %arg19[%dma_start3A_36] : memref<10240xf32, #tpu.memory_space<vmem_shared>> -> memref<10240xf32, #tpu.memory_space<vmem_shared>>
        tpu.enqueue_indirect_dma source(%dma_start3A_32 : memref<128xf32, #tpu.memory_space<vmem>>) target(%dma_start3A_37 : memref<10240xf32, #tpu.memory_space<vmem_shared>>) offsets(%dma_start3A_35 : memref<128xi32, #tpu.memory_space<vmem>>) semaphore(%run_scoped3A_30 : memref<!tpu.dma_semaphore, #tpu.memory_space<semaphore_mem>>) {add = true}
        %dma_wait3A = arith.constant 0 : i32
        %dma_wait3A_38 = tpu.memref_slice %arg16[%add3A_29, %dma_wait3A] : memref<80x128xf32, #tpu.memory_space<vmem>> -> memref<1x128xf32, #tpu.memory_space<vmem>>
        %dma_wait3A_39 = tpu.memref_squeeze %dma_wait3A_38 : memref<1x128xf32, #tpu.memory_space<vmem>> -> memref<128xf32, #tpu.memory_space<vmem>>
        %dma_wait3A_40 = arith.constant 0 : i32
        %dma_wait3A_41 = tpu.memref_slice %arg13[%add3A_29, %dma_wait3A_40] : memref<80x128xi32, #tpu.memory_space<vmem>> -> memref<1x128xi32, #tpu.memory_space<vmem>>
        %dma_wait3A_42 = tpu.memref_squeeze %dma_wait3A_41 : memref<1x128xi32, #tpu.memory_space<vmem>> -> memref<128xi32, #tpu.memory_space<vmem>>
        %dma_wait3A_43 = arith.constant 0 : i32
        %dma_wait3A_44 = tpu.memref_slice %arg19[%dma_wait3A_43] : memref<10240xf32, #tpu.memory_space<vmem_shared>> -> memref<10240xf32, #tpu.memory_space<vmem_shared>>
        tpu.wait_indirect_dma semaphore(%run_scoped3A_30 : memref<!tpu.dma_semaphore, #tpu.memory_space<semaphore_mem>>) src(%dma_wait3A_39 : memref<128xf32, #tpu.memory_space<vmem>>) dst(%dma_wait3A_44 : memref<10240xf32, #tpu.memory_space<vmem_shared>>)
        tpu.yield
      }) : () -> ()
      "tpu.region"() ({
        %run_scoped3A_30 = tpu.sem_alloc : memref<!tpu.dma_semaphore, #tpu.memory_space<semaphore_mem>>
        %dma_start3A = arith.constant 0 : i32
        %dma_start3A_31 = tpu.memref_slice %arg17[%add3A_29, %dma_start3A] : memref<80x128xf32, #tpu.memory_space<vmem>> -> memref<1x128xf32, #tpu.memory_space<vmem>>
        %dma_start3A_32 = tpu.memref_squeeze %dma_start3A_31 : memref<1x128xf32, #tpu.memory_space<vmem>> -> memref<128xf32, #tpu.memory_space<vmem>>
        %dma_start3A_33 = arith.constant 0 : i32
        %dma_start3A_34 = tpu.memref_slice %arg13[%add3A_29, %dma_start3A_33] : memref<80x128xi32, #tpu.memory_space<vmem>> -> memref<1x128xi32, #tpu.memory_space<vmem>>
        %dma_start3A_35 = tpu.memref_squeeze %dma_start3A_34 : memref<1x128xi32, #tpu.memory_space<vmem>> -> memref<128xi32, #tpu.memory_space<vmem>>
        %dma_start3A_36 = arith.constant 0 : i32
        %dma_start3A_37 = tpu.memref_slice %arg20[%dma_start3A_36] : memref<10240xf32, #tpu.memory_space<vmem_shared>> -> memref<10240xf32, #tpu.memory_space<vmem_shared>>
        tpu.enqueue_indirect_dma source(%dma_start3A_32 : memref<128xf32, #tpu.memory_space<vmem>>) target(%dma_start3A_37 : memref<10240xf32, #tpu.memory_space<vmem_shared>>) offsets(%dma_start3A_35 : memref<128xi32, #tpu.memory_space<vmem>>) semaphore(%run_scoped3A_30 : memref<!tpu.dma_semaphore, #tpu.memory_space<semaphore_mem>>) {add = true}
        %dma_wait3A = arith.constant 0 : i32
        %dma_wait3A_38 = tpu.memref_slice %arg17[%add3A_29, %dma_wait3A] : memref<80x128xf32, #tpu.memory_space<vmem>> -> memref<1x128xf32, #tpu.memory_space<vmem>>
        %dma_wait3A_39 = tpu.memref_squeeze %dma_wait3A_38 : memref<1x128xf32, #tpu.memory_space<vmem>> -> memref<128xf32, #tpu.memory_space<vmem>>
        %dma_wait3A_40 = arith.constant 0 : i32
        %dma_wait3A_41 = tpu.memref_slice %arg13[%add3A_29, %dma_wait3A_40] : memref<80x128xi32, #tpu.memory_space<vmem>> -> memref<1x128xi32, #tpu.memory_space<vmem>>
        %dma_wait3A_42 = tpu.memref_squeeze %dma_wait3A_41 : memref<1x128xi32, #tpu.memory_space<vmem>> -> memref<128xi32, #tpu.memory_space<vmem>>
        %dma_wait3A_43 = arith.constant 0 : i32
        %dma_wait3A_44 = tpu.memref_slice %arg20[%dma_wait3A_43] : memref<10240xf32, #tpu.memory_space<vmem_shared>> -> memref<10240xf32, #tpu.memory_space<vmem_shared>>
        tpu.wait_indirect_dma semaphore(%run_scoped3A_30 : memref<!tpu.dma_semaphore, #tpu.memory_space<semaphore_mem>>) src(%dma_wait3A_39 : memref<128xf32, #tpu.memory_space<vmem>>) dst(%dma_wait3A_44 : memref<10240xf32, #tpu.memory_space<vmem_shared>>)
        tpu.yield
      }) : () -> ()
    }
    %scan3A_21 = arith.constant 80 : i32
    %barrier3A_22 = arith.constant 0 : index
    tpu.barrier barrier_id(%barrier3A_22)
    %eq3A = arith.constant 0 : i32
    %eq3A_23 = arith.cmpi eq, %arg1, %eq3A : i32
    %convert_element_type3A = arith.extui %eq3A_23 : i1 to i32
    %cond3A = arith.constant 0 : i32
    %cond3A_24 = arith.cmpi ne, %convert_element_type3A, %cond3A : i32
    scf.if %cond3A_24 {
      %run_scoped3A_25 = arith.constant 0 : i32
      "tpu.region"() ({
        %run_scoped3A_27 = tpu.sem_alloc : memref<!tpu.dma_semaphore, #tpu.memory_space<semaphore_mem>>
        %dma_start3A = arith.constant 0 : i32
        %dma_start3A_28 = tpu.memref_slice %arg7[%arg0, %run_scoped3A_25, %dma_start3A] : memref<2x2x10240xf32, #tpu.memory_space<hbm>> -> memref<1x1x10240xf32, #tpu.memory_space<hbm>>
        %dma_start3A_29 = tpu.memref_squeeze %dma_start3A_28 : memref<1x1x10240xf32, #tpu.memory_space<hbm>> -> memref<10240xf32, #tpu.memory_space<hbm>>
        tpu.enqueue_dma source(%arg19 : memref<10240xf32, #tpu.memory_space<vmem_shared>>) target(%dma_start3A_29 : memref<10240xf32, #tpu.memory_space<hbm>>) target_semaphore(%run_scoped3A_27 : memref<!tpu.dma_semaphore, #tpu.memory_space<semaphore_mem>>)
        %dma_wait3A = arith.constant 0 : i32
        %dma_wait3A_30 = tpu.memref_slice %arg7[%arg0, %run_scoped3A_25, %dma_wait3A] : memref<2x2x10240xf32, #tpu.memory_space<hbm>> -> memref<1x1x10240xf32, #tpu.memory_space<hbm>>
        %dma_wait3A_31 = tpu.memref_squeeze %dma_wait3A_30 : memref<1x1x10240xf32, #tpu.memory_space<hbm>> -> memref<10240xf32, #tpu.memory_space<hbm>>
        tpu.wait_dma2 semaphore(%run_scoped3A_27 : memref<!tpu.dma_semaphore, #tpu.memory_space<semaphore_mem>>) src(%arg19 : memref<10240xf32, #tpu.memory_space<vmem_shared>>) dst(%dma_wait3A_31 : memref<10240xf32, #tpu.memory_space<hbm>>)
        tpu.yield
      }) : () -> ()
      %run_scoped3A_26 = arith.constant 1 : i32
      "tpu.region"() ({
        %run_scoped3A_27 = tpu.sem_alloc : memref<!tpu.dma_semaphore, #tpu.memory_space<semaphore_mem>>
        %dma_start3A = arith.constant 0 : i32
        %dma_start3A_28 = tpu.memref_slice %arg7[%arg0, %run_scoped3A_26, %dma_start3A] : memref<2x2x10240xf32, #tpu.memory_space<hbm>> -> memref<1x1x10240xf32, #tpu.memory_space<hbm>>
        %dma_start3A_29 = tpu.memref_squeeze %dma_start3A_28 : memref<1x1x10240xf32, #tpu.memory_space<hbm>> -> memref<10240xf32, #tpu.memory_space<hbm>>
        tpu.enqueue_dma source(%arg20 : memref<10240xf32, #tpu.memory_space<vmem_shared>>) target(%dma_start3A_29 : memref<10240xf32, #tpu.memory_space<hbm>>) target_semaphore(%run_scoped3A_27 : memref<!tpu.dma_semaphore, #tpu.memory_space<semaphore_mem>>)
        %dma_wait3A = arith.constant 0 : i32
        %dma_wait3A_30 = tpu.memref_slice %arg7[%arg0, %run_scoped3A_26, %dma_wait3A] : memref<2x2x10240xf32, #tpu.memory_space<hbm>> -> memref<1x1x10240xf32, #tpu.memory_space<hbm>>
        %dma_wait3A_31 = tpu.memref_squeeze %dma_wait3A_30 : memref<1x1x10240xf32, #tpu.memory_space<hbm>> -> memref<10240xf32, #tpu.memory_space<hbm>>
        tpu.wait_dma2 semaphore(%run_scoped3A_27 : memref<!tpu.dma_semaphore, #tpu.memory_space<semaphore_mem>>) src(%arg20 : memref<10240xf32, #tpu.memory_space<vmem_shared>>) dst(%dma_wait3A_31 : memref<10240xf32, #tpu.memory_space<hbm>>)
        tpu.yield
      }) : () -> ()
    } else {
    }
    return
  }
}

module attributes {stable_mosaic.version = 14 : i64} {
  func.func @_tc_xw_body(%arg0: memref<10240x128xf32, #tpu.memory_space<vmem>>, %arg1: memref<2x128xf32, #tpu.memory_space<vmem>>, %arg2: memref<2x10240xf32, #tpu.memory_space<vmem>>) attributes {dimension_semantics = [], scalar_prefetch = 0 : i64, scratch_operands = 0 : i64, tpu.core_type = #tpu.core_type<tc>} {
    %get3A = arith.constant 0 : index
    %get3A_0 = arith.constant 0 : index
    %get3A_1 = vector.load %arg1[%get3A, %get3A_0] : memref<2x128xf32, #tpu.memory_space<vmem>>, vector<2x128xf32>
    %get3A_2 = arith.constant 0 : index
    %get3A_3 = arith.constant 0 : index
    %get3A_4 = vector.load %arg0[%get3A_2, %get3A_3] : memref<10240x128xf32, #tpu.memory_space<vmem>>, vector<10240x128xf32>
    %dot_general3A = arith.constant dense<0.000000e+00> : vector<2x10240xf32>
    %dot_general3A_5 = tpu.matmul %get3A_1, %get3A_4, %dot_general3A {dimension_numbers = #tpu.dot_dimension_numbers<[1], [1], [0], [0], [0, 0, 1, 0], [], []>, transpose_lhs_hint = false} : vector<2x128xf32>, vector<10240x128xf32>, vector<2x10240xf32> -> vector<2x10240xf32>
    %swap3A = arith.constant 0 : index
    %swap3A_6 = arith.constant 0 : index
    %swap3A_7 = vector.load %arg2[%swap3A, %swap3A_6] : memref<2x10240xf32, #tpu.memory_space<vmem>>, vector<2x10240xf32>
    tpu.vector_store %arg2[%swap3A, %swap3A_6], %dot_general3A_5 {strides = array<i32>} : memref<2x10240xf32, #tpu.memory_space<vmem>>, vector<2x10240xf32>,
    return
  }
}

module attributes {stable_mosaic.version = 14 : i64} {
  func.func @_tc_dis_body(%arg0: memref<2x10240xf32, #tpu.memory_space<vmem>>, %arg1: memref<1x10240xf32, #tpu.memory_space<vmem>>) attributes {dimension_semantics = [], scalar_prefetch = 0 : i64, scratch_operands = 0 : i64, tpu.core_type = #tpu.core_type<tc>} {
    %get3A = arith.constant 0 : index
    %get3A_0 = arith.constant 0 : index
    %get3A_1 = vector.load %arg0[%get3A, %get3A_0] : memref<2x10240xf32, #tpu.memory_space<vmem>>, vector<1x10240xf32>
    %get3A_2 = arith.constant 1 : index
    %get3A_3 = arith.constant 0 : index
    %get3A_4 = vector.load %arg0[%get3A_2, %get3A_3] : memref<2x10240xf32, #tpu.memory_space<vmem>>, vector<1x10240xf32>
    %add3A = arith.addf %get3A_1, %get3A_4 : vector<1x10240xf32>
    %add3A_5 = arith.constant 1.000000e+00 : f32
    %add3A_6 = vector.broadcast %add3A_5 : f32 to vector<1x10240xf32>
    %add3A_7 = arith.addf %add3A, %add3A_6 : vector<1x10240xf32>
    %rsqrt3A = math.rsqrt %add3A_7 : vector<1x10240xf32>
    %swap3A = arith.constant 0 : index
    %swap3A_8 = arith.constant 0 : index
    %swap3A_9 = vector.load %arg1[%swap3A, %swap3A_8] : memref<1x10240xf32, #tpu.memory_space<vmem>>, vector<1x10240xf32>
    tpu.vector_store %arg1[%swap3A, %swap3A_8], %rsqrt3A {strides = array<i32>} : memref<1x10240xf32, #tpu.memory_space<vmem>>, vector<1x10240xf32>,
    return
  }
}

module attributes {stable_mosaic.version = 14 : i64} {
  func.func @_tc_mid_body(%arg0: memref<4x10240xf32, #tpu.memory_space<vmem>>, %arg1: memref<2x10240xf32, #tpu.memory_space<vmem>>, %arg2: memref<1x10240xf32, #tpu.memory_space<vmem>>, %arg3: memref<8xf32, #tpu.memory_space<smem>>, %arg4: memref<1x10240xf32, #tpu.memory_space<vmem>>) attributes {dimension_semantics = [], scalar_prefetch = 0 : i64, scratch_operands = 0 : i64, tpu.core_type = #tpu.core_type<tc>} {
    %get3A = arith.constant 0 : index
    %get3A_0 = arith.constant 0 : index
    %get3A_1 = vector.load %arg2[%get3A, %get3A_0] : memref<1x10240xf32, #tpu.memory_space<vmem>>, vector<1x10240xf32>
    %get3A_2 = arith.constant 0 : index
    %get3A_3 = arith.constant 0 : index
    %get3A_4 = vector.load %arg2[%get3A_2, %get3A_3] : memref<1x10240xf32, #tpu.memory_space<vmem>>, vector<1x10240xf32>
    %mul3A = arith.mulf %get3A_1, %get3A_4 : vector<1x10240xf32>
    %iota3A = tpu.iota {dimensions = array<i32: 1>} : vector<1x10240xi32>
    %lt3A = arith.constant 10000 : i32
    %lt3A_5 = vector.broadcast %lt3A : i32 to vector<1x10240xi32>
    %lt3A_6 = arith.cmpi slt, %iota3A, %lt3A_5 : vector<1x10240xi32>
    %get3A_7 = arith.constant 0 : index
    %get3A_8 = arith.constant 0 : index
    %get3A_9 = vector.load %arg0[%get3A_7, %get3A_8] : memref<4x10240xf32, #tpu.memory_space<vmem>>, vector<1x10240xf32>
    %get3A_10 = arith.constant 2 : index
    %get3A_11 = arith.constant 0 : index
    %get3A_12 = vector.load %arg0[%get3A_10, %get3A_11] : memref<4x10240xf32, #tpu.memory_space<vmem>>, vector<1x10240xf32>
    %add3A = arith.addf %get3A_9, %get3A_12 : vector<1x10240xf32>
    %get3A_13 = arith.constant 0 : index
    %get3A_14 = arith.constant 0 : index
    %get3A_15 = vector.load %arg1[%get3A_13, %get3A_14] : memref<2x10240xf32, #tpu.memory_space<vmem>>, vector<1x10240xf32>
    %mul3A_16 = arith.mulf %get3A_15, %mul3A : vector<1x10240xf32>
    %add3A_17 = arith.addf %add3A, %mul3A_16 : vector<1x10240xf32>
    %get3A_18 = arith.constant 0 : index
    %get3A_19 = memref.load %arg3[%get3A_18] : memref<8xf32, #tpu.memory_space<smem>>
    %add3A_20 = vector.broadcast %get3A_19 : f32 to vector<1x10240xf32>
    %add3A_21 = arith.addf %add3A_17, %add3A_20 : vector<1x10240xf32>
    %ge3A = arith.constant 0.000000e+00 : f32
    %ge3A_22 = vector.broadcast %ge3A : f32 to vector<1x10240xf32>
    %ge3A_23 = arith.cmpf oge, %add3A_21, %ge3A_22 : vector<1x10240xf32>
    %mul3A_24 = arith.constant 1.000000e-01 : f32
    %mul3A_25 = vector.broadcast %mul3A_24 : f32 to vector<1x10240xf32>
    %mul3A_26 = arith.mulf %mul3A_25, %add3A_21 : vector<1x10240xf32>
    %select_n3A = arith.select %ge3A_23, %add3A_21, %mul3A_26 : vector<1x10240xi1>, vector<1x10240xf32>
    %jit3A = arith.constant 0.000000e+00 : f32
    %broadcast_in_dim3A = vector.broadcast %jit3A : f32 to vector<1x10240xf32>
    %select_n3A_27 = arith.select %lt3A_6, %select_n3A, %broadcast_in_dim3A : vector<1x10240xi1>, vector<1x10240xf32>
    %reduce_sum3A = vector.shape_cast %select_n3A_27 : vector<1x10240xf32> to vector<1x1x10240xf32>
    %reduce_sum3A_28 = arith.constant dense<0.000000e+00> : vector<1xf32>
    %reduce_sum3A_29 = vector.multi_reduction <add>, %reduce_sum3A, %reduce_sum3A_28 [1, 2] : vector<1x1x10240xf32> to vector<1xf32>
    %reduce_sum3A_30 = vector.shape_cast %reduce_sum3A_29 : vector<1xf32> to vector<1x1x1xf32>
    %reduce_sum3A_31 = vector.extract %reduce_sum3A_30[0, 0, 0] : f32 from vector<1x1x1xf32>
    %mul3A_32 = arith.constant 9.99999974E-5 : f32
    %mul3A_33 = arith.mulf %reduce_sum3A_31, %mul3A_32 : f32
    %sub3A = vector.broadcast %mul3A_33 : f32 to vector<1x10240xf32>
    %sub3A_34 = arith.subf %select_n3A, %sub3A : vector<1x10240xf32>
    %sub3A_35 = vector.broadcast %mul3A_33 : f32 to vector<1x10240xf32>
    %sub3A_36 = arith.subf %select_n3A, %sub3A_35 : vector<1x10240xf32>
    %mul3A_37 = arith.mulf %sub3A_34, %sub3A_36 : vector<1x10240xf32>
    %jit3A_38 = arith.constant 0.000000e+00 : f32
    %broadcast_in_dim3A_39 = vector.broadcast %jit3A_38 : f32 to vector<1x10240xf32>
    %select_n3A_40 = arith.select %lt3A_6, %mul3A_37, %broadcast_in_dim3A_39 : vector<1x10240xi1>, vector<1x10240xf32>
    %reduce_sum3A_41 = vector.shape_cast %select_n3A_40 : vector<1x10240xf32> to vector<1x1x10240xf32>
    %reduce_sum3A_42 = arith.constant dense<0.000000e+00> : vector<1xf32>
    %reduce_sum3A_43 = vector.multi_reduction <add>, %reduce_sum3A_41, %reduce_sum3A_42 [1, 2] : vector<1x1x10240xf32> to vector<1xf32>
    %reduce_sum3A_44 = vector.shape_cast %reduce_sum3A_43 : vector<1xf32> to vector<1x1x1xf32>
    %reduce_sum3A_45 = vector.extract %reduce_sum3A_44[0, 0, 0] : f32 from vector<1x1x1xf32>
    %mul3A_46 = arith.constant 9.99999974E-5 : f32
    %mul3A_47 = arith.mulf %reduce_sum3A_45, %mul3A_46 : f32
    %sub3A_48 = vector.broadcast %mul3A_33 : f32 to vector<1x10240xf32>
    %sub3A_49 = arith.subf %select_n3A, %sub3A_48 : vector<1x10240xf32>
    %add3A_50 = arith.constant 9.99999974E-6 : f32
    %add3A_51 = arith.addf %mul3A_47, %add3A_50 : f32
    %rsqrt3A = math.rsqrt %add3A_51 : f32
    %mul3A_52 = vector.broadcast %rsqrt3A : f32 to vector<1x10240xf32>
    %mul3A_53 = arith.mulf %sub3A_49, %mul3A_52 : vector<1x10240xf32>
    %get3A_54 = arith.constant 2 : index
    %get3A_55 = memref.load %arg3[%get3A_54] : memref<8xf32, #tpu.memory_space<smem>>
    %mul3A_56 = vector.broadcast %get3A_55 : f32 to vector<1x10240xf32>
    %mul3A_57 = arith.mulf %mul3A_53, %mul3A_56 : vector<1x10240xf32>
    %get3A_58 = arith.constant 4 : index
    %get3A_59 = memref.load %arg3[%get3A_58] : memref<8xf32, #tpu.memory_space<smem>>
    %add3A_60 = vector.broadcast %get3A_59 : f32 to vector<1x10240xf32>
    %add3A_61 = arith.addf %mul3A_57, %add3A_60 : vector<1x10240xf32>
    %get3A_62 = arith.constant 1 : index
    %get3A_63 = arith.constant 0 : index
    %get3A_64 = vector.load %arg0[%get3A_62, %get3A_63] : memref<4x10240xf32, #tpu.memory_space<vmem>>, vector<1x10240xf32>
    %get3A_65 = arith.constant 3 : index
    %get3A_66 = arith.constant 0 : index
    %get3A_67 = vector.load %arg0[%get3A_65, %get3A_66] : memref<4x10240xf32, #tpu.memory_space<vmem>>, vector<1x10240xf32>
    %add3A_68 = arith.addf %get3A_64, %get3A_67 : vector<1x10240xf32>
    %get3A_69 = arith.constant 1 : index
    %get3A_70 = arith.constant 0 : index
    %get3A_71 = vector.load %arg1[%get3A_69, %get3A_70] : memref<2x10240xf32, #tpu.memory_space<vmem>>, vector<1x10240xf32>
    %mul3A_72 = arith.mulf %get3A_71, %mul3A : vector<1x10240xf32>
    %add3A_73 = arith.addf %add3A_68, %mul3A_72 : vector<1x10240xf32>
    %get3A_74 = arith.constant 1 : index
    %get3A_75 = memref.load %arg3[%get3A_74] : memref<8xf32, #tpu.memory_space<smem>>
    %add3A_76 = vector.broadcast %get3A_75 : f32 to vector<1x10240xf32>
    %add3A_77 = arith.addf %add3A_73, %add3A_76 : vector<1x10240xf32>
    %ge3A_78 = arith.constant 0.000000e+00 : f32
    %ge3A_79 = vector.broadcast %ge3A_78 : f32 to vector<1x10240xf32>
    %ge3A_80 = arith.cmpf oge, %add3A_77, %ge3A_79 : vector<1x10240xf32>
    %mul3A_81 = arith.constant 1.000000e-01 : f32
    %mul3A_82 = vector.broadcast %mul3A_81 : f32 to vector<1x10240xf32>
    %mul3A_83 = arith.mulf %mul3A_82, %add3A_77 : vector<1x10240xf32>
    %select_n3A_84 = arith.select %ge3A_80, %add3A_77, %mul3A_83 : vector<1x10240xi1>, vector<1x10240xf32>
    %jit3A_85 = arith.constant 0.000000e+00 : f32
    %broadcast_in_dim3A_86 = vector.broadcast %jit3A_85 : f32 to vector<1x10240xf32>
    %select_n3A_87 = arith.select %lt3A_6, %select_n3A_84, %broadcast_in_dim3A_86 : vector<1x10240xi1>, vector<1x10240xf32>
    %reduce_sum3A_88 = vector.shape_cast %select_n3A_87 : vector<1x10240xf32> to vector<1x1x10240xf32>
    %reduce_sum3A_89 = arith.constant dense<0.000000e+00> : vector<1xf32>
    %reduce_sum3A_90 = vector.multi_reduction <add>, %reduce_sum3A_88, %reduce_sum3A_89 [1, 2] : vector<1x1x10240xf32> to vector<1xf32>
    %reduce_sum3A_91 = vector.shape_cast %reduce_sum3A_90 : vector<1xf32> to vector<1x1x1xf32>
    %reduce_sum3A_92 = vector.extract %reduce_sum3A_91[0, 0, 0] : f32 from vector<1x1x1xf32>
    %mul3A_93 = arith.constant 9.99999974E-5 : f32
    %mul3A_94 = arith.mulf %reduce_sum3A_92, %mul3A_93 : f32
    %sub3A_95 = vector.broadcast %mul3A_94 : f32 to vector<1x10240xf32>
    %sub3A_96 = arith.subf %select_n3A_84, %sub3A_95 : vector<1x10240xf32>
    %sub3A_97 = vector.broadcast %mul3A_94 : f32 to vector<1x10240xf32>
    %sub3A_98 = arith.subf %select_n3A_84, %sub3A_97 : vector<1x10240xf32>
    %mul3A_99 = arith.mulf %sub3A_96, %sub3A_98 : vector<1x10240xf32>
    %jit3A_100 = arith.constant 0.000000e+00 : f32
    %broadcast_in_dim3A_101 = vector.broadcast %jit3A_100 : f32 to vector<1x10240xf32>
    %select_n3A_102 = arith.select %lt3A_6, %mul3A_99, %broadcast_in_dim3A_101 : vector<1x10240xi1>, vector<1x10240xf32>
    %reduce_sum3A_103 = vector.shape_cast %select_n3A_102 : vector<1x10240xf32> to vector<1x1x10240xf32>
    %reduce_sum3A_104 = arith.constant dense<0.000000e+00> : vector<1xf32>
    %reduce_sum3A_105 = vector.multi_reduction <add>, %reduce_sum3A_103, %reduce_sum3A_104 [1, 2] : vector<1x1x10240xf32> to vector<1xf32>
    %reduce_sum3A_106 = vector.shape_cast %reduce_sum3A_105 : vector<1xf32> to vector<1x1x1xf32>
    %reduce_sum3A_107 = vector.extract %reduce_sum3A_106[0, 0, 0] : f32 from vector<1x1x1xf32>
    %mul3A_108 = arith.constant 9.99999974E-5 : f32
    %mul3A_109 = arith.mulf %reduce_sum3A_107, %mul3A_108 : f32
    %sub3A_110 = vector.broadcast %mul3A_94 : f32 to vector<1x10240xf32>
    %sub3A_111 = arith.subf %select_n3A_84, %sub3A_110 : vector<1x10240xf32>
    %add3A_112 = arith.constant 9.99999974E-6 : f32
    %add3A_113 = arith.addf %mul3A_109, %add3A_112 : f32
    %rsqrt3A_114 = math.rsqrt %add3A_113 : f32
    %mul3A_115 = vector.broadcast %rsqrt3A_114 : f32 to vector<1x10240xf32>
    %mul3A_116 = arith.mulf %sub3A_111, %mul3A_115 : vector<1x10240xf32>
    %get3A_117 = arith.constant 3 : index
    %get3A_118 = memref.load %arg3[%get3A_117] : memref<8xf32, #tpu.memory_space<smem>>
    %mul3A_119 = vector.broadcast %get3A_118 : f32 to vector<1x10240xf32>
    %mul3A_120 = arith.mulf %mul3A_116, %mul3A_119 : vector<1x10240xf32>
    %get3A_121 = arith.constant 5 : index
    %get3A_122 = memref.load %arg3[%get3A_121] : memref<8xf32, #tpu.memory_space<smem>>
    %add3A_123 = vector.broadcast %get3A_122 : f32 to vector<1x10240xf32>
    %add3A_124 = arith.addf %mul3A_120, %add3A_123 : vector<1x10240xf32>
    %get3A_125 = arith.constant 6 : index
    %get3A_126 = memref.load %arg3[%get3A_125] : memref<8xf32, #tpu.memory_space<smem>>
    %mul3A_127 = vector.broadcast %get3A_126 : f32 to vector<1x10240xf32>
    %mul3A_128 = arith.mulf %add3A_61, %mul3A_127 : vector<1x10240xf32>
    %get3A_129 = arith.constant 7 : index
    %get3A_130 = memref.load %arg3[%get3A_129] : memref<8xf32, #tpu.memory_space<smem>>
    %mul3A_131 = vector.broadcast %get3A_130 : f32 to vector<1x10240xf32>
    %mul3A_132 = arith.mulf %add3A_124, %mul3A_131 : vector<1x10240xf32>
    %add3A_133 = arith.addf %mul3A_128, %mul3A_132 : vector<1x10240xf32>
    %jit3A_134 = arith.constant 0.000000e+00 : f32
    %broadcast_in_dim3A_135 = vector.broadcast %jit3A_134 : f32 to vector<1x10240xf32>
    %select_n3A_136 = arith.select %lt3A_6, %add3A_133, %broadcast_in_dim3A_135 : vector<1x10240xi1>, vector<1x10240xf32>
    %swap3A = arith.constant 0 : index
    %swap3A_137 = arith.constant 0 : index
    %swap3A_138 = vector.load %arg4[%swap3A, %swap3A_137] : memref<1x10240xf32, #tpu.memory_space<vmem>>, vector<1x10240xf32>
    tpu.vector_store %arg4[%swap3A, %swap3A_137], %select_n3A_136 {strides = array<i32>} : memref<1x10240xf32, #tpu.memory_space<vmem>>, vector<1x10240xf32>,
    return
  }
}

module attributes {stable_mosaic.version = 14 : i64} {
  func.func @_tc_fin_body(%arg0: memref<2x10240xf32, #tpu.memory_space<vmem>>, %arg1: memref<1x10240xf32, #tpu.memory_space<vmem>>, %arg2: memref<1x10240xf32, #tpu.memory_space<vmem>>, %arg3: memref<3xf32, #tpu.memory_space<smem>>, %arg4: memref<1x10240xf32, #tpu.memory_space<vmem>>) attributes {dimension_semantics = [], scalar_prefetch = 0 : i64, scratch_operands = 0 : i64, tpu.core_type = #tpu.core_type<tc>} {
    %get3A = arith.constant 0 : index
    %get3A_0 = arith.constant 0 : index
    %get3A_1 = vector.load %arg2[%get3A, %get3A_0] : memref<1x10240xf32, #tpu.memory_space<vmem>>, vector<1x10240xf32>
    %get3A_2 = arith.constant 0 : index
    %get3A_3 = arith.constant 0 : index
    %get3A_4 = vector.load %arg2[%get3A_2, %get3A_3] : memref<1x10240xf32, #tpu.memory_space<vmem>>, vector<1x10240xf32>
    %mul3A = arith.mulf %get3A_1, %get3A_4 : vector<1x10240xf32>
    %iota3A = tpu.iota {dimensions = array<i32: 1>} : vector<1x10240xi32>
    %lt3A = arith.constant 10000 : i32
    %lt3A_5 = vector.broadcast %lt3A : i32 to vector<1x10240xi32>
    %lt3A_6 = arith.cmpi slt, %iota3A, %lt3A_5 : vector<1x10240xi32>
    %get3A_7 = arith.constant 0 : index
    %get3A_8 = arith.constant 0 : index
    %get3A_9 = vector.load %arg0[%get3A_7, %get3A_8] : memref<2x10240xf32, #tpu.memory_space<vmem>>, vector<1x10240xf32>
    %get3A_10 = arith.constant 1 : index
    %get3A_11 = arith.constant 0 : index
    %get3A_12 = vector.load %arg0[%get3A_10, %get3A_11] : memref<2x10240xf32, #tpu.memory_space<vmem>>, vector<1x10240xf32>
    %add3A = arith.addf %get3A_9, %get3A_12 : vector<1x10240xf32>
    %get3A_13 = arith.constant 0 : index
    %get3A_14 = arith.constant 0 : index
    %get3A_15 = vector.load %arg1[%get3A_13, %get3A_14] : memref<1x10240xf32, #tpu.memory_space<vmem>>, vector<1x10240xf32>
    %mul3A_16 = arith.mulf %get3A_15, %mul3A : vector<1x10240xf32>
    %add3A_17 = arith.addf %add3A, %mul3A_16 : vector<1x10240xf32>
    %get3A_18 = arith.constant 0 : index
    %get3A_19 = memref.load %arg3[%get3A_18] : memref<3xf32, #tpu.memory_space<smem>>
    %add3A_20 = vector.broadcast %get3A_19 : f32 to vector<1x10240xf32>
    %add3A_21 = arith.addf %add3A_17, %add3A_20 : vector<1x10240xf32>
    %ge3A = arith.constant 0.000000e+00 : f32
    %ge3A_22 = vector.broadcast %ge3A : f32 to vector<1x10240xf32>
    %ge3A_23 = arith.cmpf oge, %add3A_21, %ge3A_22 : vector<1x10240xf32>
    %mul3A_24 = arith.constant 1.000000e-01 : f32
    %mul3A_25 = vector.broadcast %mul3A_24 : f32 to vector<1x10240xf32>
    %mul3A_26 = arith.mulf %mul3A_25, %add3A_21 : vector<1x10240xf32>
    %select_n3A = arith.select %ge3A_23, %add3A_21, %mul3A_26 : vector<1x10240xi1>, vector<1x10240xf32>
    %jit3A = arith.constant 0.000000e+00 : f32
    %broadcast_in_dim3A = vector.broadcast %jit3A : f32 to vector<1x10240xf32>
    %select_n3A_27 = arith.select %lt3A_6, %select_n3A, %broadcast_in_dim3A : vector<1x10240xi1>, vector<1x10240xf32>
    %reduce_sum3A = vector.shape_cast %select_n3A_27 : vector<1x10240xf32> to vector<1x1x10240xf32>
    %reduce_sum3A_28 = arith.constant dense<0.000000e+00> : vector<1xf32>
    %reduce_sum3A_29 = vector.multi_reduction <add>, %reduce_sum3A, %reduce_sum3A_28 [1, 2] : vector<1x1x10240xf32> to vector<1xf32>
    %reduce_sum3A_30 = vector.shape_cast %reduce_sum3A_29 : vector<1xf32> to vector<1x1x1xf32>
    %reduce_sum3A_31 = vector.extract %reduce_sum3A_30[0, 0, 0] : f32 from vector<1x1x1xf32>
    %mul3A_32 = arith.constant 9.99999974E-5 : f32
    %mul3A_33 = arith.mulf %reduce_sum3A_31, %mul3A_32 : f32
    %sub3A = vector.broadcast %mul3A_33 : f32 to vector<1x10240xf32>
    %sub3A_34 = arith.subf %select_n3A, %sub3A : vector<1x10240xf32>
    %sub3A_35 = vector.broadcast %mul3A_33 : f32 to vector<1x10240xf32>
    %sub3A_36 = arith.subf %select_n3A, %sub3A_35 : vector<1x10240xf32>
    %mul3A_37 = arith.mulf %sub3A_34, %sub3A_36 : vector<1x10240xf32>
    %jit3A_38 = arith.constant 0.000000e+00 : f32
    %broadcast_in_dim3A_39 = vector.broadcast %jit3A_38 : f32 to vector<1x10240xf32>
    %select_n3A_40 = arith.select %lt3A_6, %mul3A_37, %broadcast_in_dim3A_39 : vector<1x10240xi1>, vector<1x10240xf32>
    %reduce_sum3A_41 = vector.shape_cast %select_n3A_40 : vector<1x10240xf32> to vector<1x1x10240xf32>
    %reduce_sum3A_42 = arith.constant dense<0.000000e+00> : vector<1xf32>
    %reduce_sum3A_43 = vector.multi_reduction <add>, %reduce_sum3A_41, %reduce_sum3A_42 [1, 2] : vector<1x1x10240xf32> to vector<1xf32>
    %reduce_sum3A_44 = vector.shape_cast %reduce_sum3A_43 : vector<1xf32> to vector<1x1x1xf32>
    %reduce_sum3A_45 = vector.extract %reduce_sum3A_44[0, 0, 0] : f32 from vector<1x1x1xf32>
    %mul3A_46 = arith.constant 9.99999974E-5 : f32
    %mul3A_47 = arith.mulf %reduce_sum3A_45, %mul3A_46 : f32
    %sub3A_48 = vector.broadcast %mul3A_33 : f32 to vector<1x10240xf32>
    %sub3A_49 = arith.subf %select_n3A, %sub3A_48 : vector<1x10240xf32>
    %add3A_50 = arith.constant 9.99999974E-6 : f32
    %add3A_51 = arith.addf %mul3A_47, %add3A_50 : f32
    %rsqrt3A = math.rsqrt %add3A_51 : f32
    %mul3A_52 = vector.broadcast %rsqrt3A : f32 to vector<1x10240xf32>
    %mul3A_53 = arith.mulf %sub3A_49, %mul3A_52 : vector<1x10240xf32>
    %get3A_54 = arith.constant 1 : index
    %get3A_55 = memref.load %arg3[%get3A_54] : memref<3xf32, #tpu.memory_space<smem>>
    %mul3A_56 = vector.broadcast %get3A_55 : f32 to vector<1x10240xf32>
    %mul3A_57 = arith.mulf %mul3A_53, %mul3A_56 : vector<1x10240xf32>
    %get3A_58 = arith.constant 2 : index
    %get3A_59 = memref.load %arg3[%get3A_58] : memref<3xf32, #tpu.memory_space<smem>>
    %add3A_60 = vector.broadcast %get3A_59 : f32 to vector<1x10240xf32>
    %add3A_61 = arith.addf %mul3A_57, %add3A_60 : vector<1x10240xf32>
    %swap3A = arith.constant 0 : index
    %swap3A_62 = arith.constant 0 : index
    %swap3A_63 = vector.load %arg4[%swap3A, %swap3A_62] : memref<1x10240xf32, #tpu.memory_space<vmem>>, vector<1x10240xf32>
    tpu.vector_store %arg4[%swap3A, %swap3A_62], %add3A_61 {strides = array<i32>} : memref<1x10240xf32, #tpu.memory_space<vmem>>, vector<1x10240xf32>,
    return
  }
}

</mosaic_0001>

<sc_bundles>
// kernel: kernel.12.cloned.1.call-start
scs
__scs_entry_jumppad:
0x0: {  	(pc) =	sbr.rel $0x88, $3  }
0x1: {  	(tag) =	ssettag $0x0;
	lr =	simm.s32 $0x1  }
0x2: {  	[smem:$0x3F96] =	sst lr;
	_ =	strace $0xD0000000  }
0x3: {  	_ = 	snop  }
0x4: {  	_ = 	snop  }
0x5: {  	_ = 	snop  }
0x6: {  	_ = 	snop  }
0x7: {  	_ = 	snop  }
__scs_overlays_trampoline_lowered:
0x8: {  	[smem:$0x3FA5] =	sst s0  }
0x9: {  	[smem:$0x3FA6] =	sst s1  }
0xa: {  	[smem:$0x3FA7] =	sst s2  }
0xb: {  	[smem:$0x3FA8] =	sst s3  }
0xc: {  	[smem:$0x3FA9] =	sst s4  }
0xd: {  	[smem:$0x3FAA] =	sst s5  }
0xe: {  	[smem:$0x3FAB] =	sst s6  }
0xf: {  	[smem:$0x3FAC] =	sst s7  }
0x10: {  	[smem:$0x3FAD] =	sst s8  }
0x11: {  	[smem:$0x3FAE] =	sst s9;
	s0 =	simm.s32 @!p0 $0x0  }
0x12: {  	s1 =	sld [smem:$0x3F94];
	s0 =	simm.s32 @p0 $0x1  }
0x13: {  	[smem:$0x3FAF] =	sst s0;
	s0 =	simm.s32 @!p1 $0x0  }
0x14: {  	s2 =	sld [smem:$0x3F93];
	s0 =	simm.s32 @p1 $0x1  }
0x15: {  	[smem:$0x3FB0] =	sst s0;
	s0 =	simm.s32 @!p2 $0x0  }
0x16: {  	s3 =	sld [smem:$0x3FDB];
	s0 =	simm.s32 @p2 $0x1  }
0x17: {  	s4 =	simm.s32 $0x1BF5;
	[smem:$0x3FB2] =	sst s0  }
0x18: {  	s0 =	sld [smem:$0x3F95];
	_ =	swait.ge [sflag:s4], $0x0  }
0x19: {  	s7 =	sld [smem:$0x3F96]  }
0x1a: {  	s8 =	sadd.s32 $0xFFFFE003, lr  }
0x1b: {  	s9 =	sadd.s32 $0xFFFFFEF7, lr;
	s5 =	simm.s32 $0xFFFFFFFF;
	p2 =	slt.u32 s8, $0xFFFFF086  }
0x1c: {  	p1 =	slt.u32 s9, $0xF7A;
	s5 =	simm.s32 @!p2 $0x0  }
0x1d: {  	s5 =	simm.s32 @p1 $0x1;
	p0 =	seq.s32 s7, s2  }
0x1e: {  	s7 =	smul.u32 @!p0 $0xF7A, s2;
	p2 =	seq.s32 @!p0 s5, $0x0  }
0x1f: {  	s9 =	smul.u32 $0xF7A, s1;
	s8 =	simm.s32 @!p0 $0x1BF5;
	p2 =	por !p2, p0  }
0x20: {  	[sflag:s8] =	ssyncset.s32 @!p0 $0xFFFFF086;
	s6 =	sadd.s32 @!p0 s3, s7;
	s7 =	simm.s32 @!p0 $0x108  }
0x21: {  	s3 =	sadd.s32 s3, s9;
	s6 =	sadd.s32 @!p0 $0x88, s6;
	s7 =	simm.s32 @p2 $0x1082  }
0x22: {  	[simem:s7], [sflag:s8] =	dma.local @!p0 [hbm:s6], $0xF7A  }
0x23: {  	s9 =	sor.u32 $0xD0000000, s2;
	s6 =	simm.s32 $0x108;
	_ =	swait.ge @!p0 [sflag:s8], $0x0  }
0x24: {  	s3 =	sadd.s32 $0x88, s3;
	s6 =	simm.s32 @!p1 $0x1082;
	[sflag:s4] =	ssyncset.s32 $0xFFFFF086  }
0x25: {  	[simem:s6], [sflag:s4] =	dma.local [hbm:s3], $0xF7A  }
0x26: {  	[smem:$0x3F96] =	sst s1;
	(tag) =	ssettag s2;
	_ =	strace s9  }
0x27: {  	s1 =	sld [smem:$0x3FA6]  }
0x28: {  	s2 =	sld [smem:$0x3FA7]  }
0x29: {  	s4 =	sld [smem:$0x3FA9]  }
0x2a: {  	p0 =	seq.s32 s5, $0x0;
	s5 =	sld [smem:$0x3FAA]  }
0x2b: {  	s6 =	sld [smem:$0x3FAB]  }
0x2c: {  	s7 =	sld [smem:$0x3FAC]  }
0x2d: {  	s3 =	simm.s32 $0x108;
	s8 =	sld [smem:$0x3FAD]  }
0x2e: {  	s3 =	simm.s32 @!p0 $0x1082;
	s9 =	sld [smem:$0x3FAE]  }
0x2f: {  	lr =	sadd.s32 s0, s3;
	s0 =	sld [smem:$0x3FA5]  }
0x30: {  	s3 =	sld [smem:$0x3FA8]  }
0x31: {  	[smem:$0x3FB1] =	sst s10  }
0x32: {  	s10 =	sld [smem:$0x3FAF];
	_ =	sdelay $0x3  }
0x33: {  	p0 =	seq.s32 s10, $0x1;
	s10 =	sld [smem:$0x3FB1];
	_ =	sdelay $0x3  }
0x34: {  	[smem:$0x3FB1] =	sst s10  }
0x35: {  	s10 =	sld [smem:$0x3FB0];
	_ =	sdelay $0x3  }
0x36: {  	p1 =	seq.s32 s10, $0x1;
	s10 =	sld [smem:$0x3FB1];
	_ =	sdelay $0x3  }
0x37: {  	[smem:$0x3FB1] =	sst s10  }
0x38: {  	s10 =	sld [smem:$0x3FB2]  }
0x39: {  	_ = 	snop;
	(pc) =	sbr.ind lr, $3  }
0x3a: {  	_ = 	snop  }
0x3b: {  	_ = 	snop  }
0x3c: {  	p2 =	seq.s32 s10, $0x1;
	s10 =	sld [smem:$0x3FB1]  }
0x3d: {  	_ =	shalt  }
0x3e: {  	_ =	shalt  }
0x3f: {  	_ =	shalt  }
0x40: {  	_ =	shalt  }
0x41: {  	_ =	shalt  }
0x42: {  	_ =	shalt  }
0x43: {  	_ =	shalt  }
0x44: {  	_ =	shalt  }
0x45: {  	_ =	shalt  }
0x46: {  	_ =	shalt  }
0x47: {  	_ =	shalt  }
0x48: {  	_ =	shalt  }
0x49: {  	_ =	shalt  }
0x4a: {  	_ =	shalt  }
0x4b: {  	_ =	shalt  }
0x4c: {  	_ =	shalt  }
0x4d: {  	_ =	shalt  }
0x4e: {  	_ =	shalt  }
0x4f: {  	_ =	shalt  }
0x50: {  	_ =	shalt  }
0x51: {  	_ =	shalt  }
0x52: {  	_ =	shalt  }
0x53: {  	_ =	shalt  }
0x54: {  	_ =	shalt  }
0x55: {  	_ =	shalt  }
0x56: {  	_ =	shalt  }
0x57: {  	_ =	shalt  }
0x58: {  	_ =	shalt  }
0x59: {  	_ =	shalt  }
0x5a: {  	_ =	shalt  }
0x5b: {  	_ =	shalt  }
0x5c: {  	_ =	shalt  }
0x5d: {  	_ =	shalt  }
0x5e: {  	_ =	shalt  }
0x5f: {  	_ =	shalt  }
0x60: {  	_ =	shalt  }
0x61: {  	_ =	shalt  }
0x62: {  	_ =	shalt  }
0x63: {  	_ =	shalt  }
0x64: {  	_ =	shalt  }
0x65: {  	_ =	shalt  }
0x66: {  	_ =	shalt  }
0x67: {  	_ =	shalt  }
0x68: {  	_ =	shalt  }
0x69: {  	_ =	shalt  }
0x6a: {  	_ =	shalt  }
0x6b: {  	_ =	shalt  }
0x6c: {  	_ =	shalt  }
0x6d: {  	_ =	shalt  }
0x6e: {  	_ =	shalt  }
0x6f: {  	_ =	shalt  }
0x70: {  	_ =	shalt  }
0x71: {  	_ =	shalt  }
0x72: {  	_ =	shalt  }
0x73: {  	_ =	shalt  }
0x74: {  	_ =	shalt  }
0x75: {  	_ =	shalt  }
0x76: {  	_ =	shalt  }
0x77: {  	_ =	shalt  }
0x78: {  	_ =	shalt  }
0x79: {  	_ =	shalt  }
0x7a: {  	_ =	shalt  }
0x7b: {  	_ =	shalt  }
0x7c: {  	_ =	shalt  }
0x7d: {  	_ =	shalt  }
0x7e: {  	_ =	shalt  }
0x7f: {  	_ =	shalt  }
0x80: {  	_ =	shalt  }
0x81: {  	_ =	shalt  }
0x82: {  	_ =	shalt  }
0x83: {  	_ =	shalt  }
0x84: {  	_ =	shalt  }
0x85: {  	_ =	shalt  }
0x86: {  	_ =	shalt  }
0x87: {  	_ =	shalt  }
.Lfunc_end0:
.L_simem_size_0:
called_computation.1_lowered:
.L_overlay_start_0:
0x88: {  	s2 =	sld [smem:$0x3FD9]  }
0x89: {  	s3 =	sld [smem:$0x3FFE];
	_ =	sdelay $0x1  }
0x8a: {  	s1 =	srdreg.scid  }
0x8b: {  	s0 =	sand.u32 $0x1, s1  }
0x8c: {  	s16 =	sshll.u32 s0, $0xA;
	s2 =	sadd.s32 s3, s2  }
0x8d: {  	s2 =	sadd.s32 s2, s16  }
0x8e: {  	[smem:$0x3FBD] =	sst s2  }
0x8f: {  	_ = 	snop  }
0x90: {  	(tm) =	ssettm $0x1  }
0x91: {  	s17 =	sld [smem:$0x3FFB];
	_ =	sdelay $0x3  }
0x92: {  	_ =	strace s17  }
0x93: {  	s2 =	sld [smem:$0x3FFC];
	_ =	sdelay $0x3  }
0x94: {  	_ =	strace s2  }
0x95: {  	s2 =	sld [smem:$0x3FFD];
	_ =	sdelay $0x3  }
0x96: {  	_ =	strace s2  }
0x97: {  	_ =	strace $0x8FFFFFFF  }
0x98: {  	s18 =	sld [smem:$0x3FDB];
	_ =	sdelay $0x1  }
0x99: {  	s19 =	simm.s32 $_scs_section_size  }
0x9a: {  	s4 =	simm.s32 $_size__tile_overlayer_lowered;
	s5 =	simm.s32 $_tile_overlayer_lowered  }
0x9b: {  	s22 =	simm.s32 $0x1BFF;
	s21 =	sshll.u32 s5, $0x1;
	s2 =	sadd.s32 s19, s18  }
0x9c: {  	s6 =	simm.s32 $0x0;
	s20 =	sshll.u32 s4, $0x1;
	s4 =	sadd.s32 s21, s2  }
0x9d: {  	[timem:s6], [sflag:s22] =	dma.local [hbm:s4], s20  }
0x9e: {  	_ =	swait.ge [sflag:s22], s20  }
0x9f: {  	s3 =	ssub.s32 $0x0, s20;
	[sflag:s22] =	ssyncset.done $0x0  }
0xa0: {  	[sflag:s22] =	ssyncadd.s32 s3;
	_ =	sdelay $0x1  }
0xa1: {  	s23 =	simm.s32 $0x1B8B  }
0xa2: {  	_ =	swait.ge [sflag:s23], $0x1  }
0xa3: {  	[sflag:s23] =	ssyncset.done $0x0  }
0xa4: {  	s25 =	simm.s32 $0x1B8E;
	s24 =	sld [smem:$0x3FFE];
	[sflag:s23] =	ssyncadd.s32 $0xFFFFFFFF  }
0xa5: {  	s26 =	simm.s32 $execute0_lowered;
	[smem:$0x3FD2] =	sst s25  }
0xa6: {  	s4 =	sshll.u32 s26, $0x1;
	_ =	strace $0x80000049;
	[dreg:$0x1] =	wrdreg $0xFFFFFFFF  }
0xa7: {  	s28 =	simm.s32 $_size_execute0_lowered;
	s2 =	sadd.s32 s2, s4;
	[dreg:$0x0] =	wrdreg $0x0  }
0xa8: {  	s4 =	sshll.u32 s28, $0x1;
	[dreg:$0x2] =	wrdreg s2  }
0xa9: {  	[dreg:$0x3] =	wrdreg s4  }
0xaa: {  	[dreg:$0x4] =	wrdreg $0xC0  }
0xab: {  	_ =	task [dreg:s6], $0x5FFFF  }
0xac: {  	[dreg:$0x1] =	wrdreg $0xFFFFFFFF  }
0xad: {  	[dreg:$0x0] =	wrdreg $0x60  }
0xae: {  	[dreg:$0x2] =	wrdreg s24  }
0xaf: {  	[dreg:$0x3] =	wrdreg $0x16A800  }
0xb0: {  	[dreg:$0x4] =	wrdreg $0x16D000  }
0xb1: {  	[dreg:$0x5] =	wrdreg $0x9  }
0xb2: {  	_ =	task.clear_ibuf [dreg:s6], $0x6FFFF;
	_ =	strace $0x90000049  }
0xb3: {  	s29 =	simm.s32 $0x9;
	_ =	strace $0x8000004B  }
0xb4: {  	_ =	swait.ge [sflag:s29], $0x1  }
0xb5: {  	[sflag:s29] =	ssyncadd.s32 $0xFFFFFFFF  }
0xb6: {  	_ =	strace $0x9000004B  }
0xb7: {  	_ =	sfence  }
0xb8: {  	s30 =	sld [smem:$0x0];
	_ =	sdelay $0x2  }
0xb9: {  	s31 =	sshll.u32 s1, $0xD;
	s1 =	sshrl.u32 s1, $0x2  }
0xba: {  	s3 =	sand.u32 $0x4000, s31;
	s1 =	sadd.s32 s1, s30  }
0xbb: {  	s0 =	sor.u32 s3, s0;
	s1 =	sshll.u32 s1, $0x11  }
0xbc: {  	s0 =	sor.u32 s1, s0  }
0xbd: {  	s0 =	sadd.s32 $0x8F2B, s0  }
0xbe: {  	[sflag:s0] =	ssyncadd.remote.s32 $0x1  }
0xbf: {  	_ =	sfence.sel $0xFFFF  }
0xc0: {  	[dreg:$0x0] =	wrdreg $0xFFFFFFFF;
	(pc) =	sbr.abs _section_cstart, $3  }
0xc1: {  	[dreg:$0x1] =	wrdreg $0xFFFFFFFF  }
0xc2: {  	_ =	task.clear_ibuf [dreg:s6], $0x2FFFF;
	_ =	strace $0x9FFFFFFF  }
0xc3: {  	(tm) =	ssettm $0x7FFFFFFF  }
tec
execute0_lowered:
.L_overlay_start_1:
0x0: {  	(tag) =	ssettag $0x1  }
0x1: {  	s8 =	rddreg [dreg:$0x0]  }
0x2: {  	s1 =	rddreg [dreg:$0x1]  }
0x3: {  	s2 =	rddreg [dreg:$0x2];
	s3 =	srdreg.scid  }
0x4: {  	s25 =	stileid.u32;
	s16 =	simm.s32 $0x16800;
	s17 =	simm.s32 $0x1  }
0x5: {  	s18 =	simm.s32 $0x80;
	s19 =	simm.s32 $0x100;
	s20 =	simm.s32 $0x2800  }
0x6: {  	s21 =	simm.s32 $0x5000;
	s22 =	simm.s32 $0x7800;
	s23 =	simm.s32 $0xA000  }
0x7: {  	s24 =	simm.s32 $0xC800;
	s26 =	simm.s32 $0x0;
	s5 =	sand.u32 $0x1, s3  }
0x8: {  	s3 =	simm.s32 $0x0;
	s10 =	smul.u32 $0x280, s25;
	p0 =	sne.s32 s25, $0x0  }
0x9: {  	s4 =	sshll.u32 s5, $0x4;
	[smem:$0x7FF] =	sst s3;
	s6 =	smul.u32 $0xA00, s5  }
0xa: {  	s9 =	ssub.s32 $0x2, s5;
	s5 =	sadd.s32 $0x21800, s8;
	s4 =	sor.u32 s25, s4  }
0xb: {  	_ =	strace $0x8000004A;
	s31 =	sshrl.u32 s9, $0x1;
	s25 =	simm.s32 $0xF000  }
0xc: {  	s7 =	smul.u32 $0x500, s4;
	s4 =	sadd.s32 $0x20E00, s8;
	s14 =	sadd.s32 s6, s8  }
0xd: {  	s15 =	ssub.s32 s9, s31;
	s6 =	sadd.s32 s10, s1;
	s13 =	sadd.s32 $0x22200, s14  }
0xe: {  	s14 =	sadd.s32 $0x22210, s14;
	s15 =	smax.u32 s15, $0x1;
	s12 =	sadd.s32 s7, s8  }
0xf: {  	s7 =	sadd.s32 s10, s2;
	s8 =	sadd.s32 $0x21810, s8;
	s9 =	sadd.s32 $0xCE00, s12  }
0x10: {  	v0 =	vimm.f32 $0.0e+00;
	s10 =	sadd.s32 $0x16E00, s12;
	s11 =	sadd.s32 $0x2E00, s12;
	s12 =	sadd.s32 $0x23600, s12  }
.LBB2_1:
0x11: {  	[tilespmem:$0x16800] =	vst v0  }
0x12: {  	[tilespmem:$0x16810] =	vst v0  }
0x13: {  	[tilespmem:$0x16820] =	vst v0  }
0x14: {  	[tilespmem:$0x16830] =	vst v0  }
0x15: {  	[tilespmem:$0x16840] =	vst v0  }
0x16: {  	[tilespmem:$0x16850] =	vst v0  }
0x17: {  	[tilespmem:$0x16860] =	vst v0  }
0x18: {  	[tilespmem:$0x16870] =	vst v0  }
0x19: {  	[tilespmem:$0x16880] =	vst v0  }
0x1a: {  	[tilespmem:$0x16890] =	vst v0  }
0x1b: {  	[tilespmem:$0x168A0] =	vst v0  }
0x1c: {  	[tilespmem:$0x168B0] =	vst v0  }
0x1d: {  	[tilespmem:$0x168C0] =	vst v0  }
0x1e: {  	[tilespmem:$0x168D0] =	vst v0  }
0x1f: {  	[tilespmem:$0x168E0] =	vst v0  }
0x20: {  	[tilespmem:$0x168F0] =	vst v0  }
0x21: {  	[tilespmem:$0x16900] =	vst v0  }
0x22: {  	[tilespmem:$0x16910] =	vst v0  }
0x23: {  	[tilespmem:$0x16920] =	vst v0  }
0x24: {  	[tilespmem:$0x16930] =	vst v0  }
0x25: {  	[tilespmem:$0x16940] =	vst v0  }
0x26: {  	[tilespmem:$0x16950] =	vst v0  }
0x27: {  	[tilespmem:$0x16960] =	vst v0  }
0x28: {  	[tilespmem:$0x16970] =	vst v0  }
0x29: {  	[tilespmem:$0x16980] =	vst v0  }
0x2a: {  	[tilespmem:$0x16990] =	vst v0  }
0x2b: {  	[tilespmem:$0x169A0] =	vst v0  }
0x2c: {  	[tilespmem:$0x169B0] =	vst v0  }
0x2d: {  	[tilespmem:$0x169C0] =	vst v0  }
0x2e: {  	[tilespmem:$0x169D0] =	vst v0  }
0x2f: {  	[tilespmem:$0x169E0] =	vst v0  }
0x30: {  	[tilespmem:$0x169F0] =	vst v0  }
0x31: {  	[tilespmem:$0x16A00] =	vst v0  }
0x32: {  	[tilespmem:$0x16A10] =	vst v0  }
0x33: {  	[tilespmem:$0x16A20] =	vst v0  }
0x34: {  	[tilespmem:$0x16A30] =	vst v0  }
0x35: {  	[tilespmem:$0x16A40] =	vst v0  }
0x36: {  	[tilespmem:$0x16A50] =	vst v0  }
0x37: {  	[tilespmem:$0x16A60] =	vst v0  }
0x38: {  	[tilespmem:$0x16A70] =	vst v0  }
0x39: {  	[spmem:s6] =	stream.linear.scatter [tilespmem:s16], [sflag:$0x1], $0x280, $0x38;
	[tilespmem:$0x16F80] =	vst v63  }
0x3a: {  	_ =	swait.ge [sflag:s17], $0x280  }
0x3b: {  	[sflag:s17] =	ssyncset.done $0x0  }
0x3c: {  	[sflag:s17] =	ssyncadd.s32 $0xFFFFFD80  }
0x3d: {  	[spmem:s7] =	stream.linear.scatter [tilespmem:s16], [sflag:$0x1], $0x280, $0x38;
	[tilespmem:$0x16F80] =	vst v63  }
0x3e: {  	_ =	swait.ge [sflag:s17], $0x280  }
0x3f: {  	[sflag:s17] =	ssyncset.done $0x0  }
0x40: {  	[sflag:s17] =	ssyncadd.s32 $0xFFFFFD80  }
0x41: {  	[tilespmem:s3], [sflag:$0x1] =	stream.linear.gather [hbm4b:s4+s3], $0x2800, $0x38;
	[tilespmem:$0x16F80] =	vst v63  }
0x42: {  	_ =	swait.ge [sflag:s17], $0x2800  }
0x43: {  	[sflag:s17] =	ssyncset.done $0x0  }
0x44: {  	[sflag:s17] =	ssyncadd.s32 $0xFFFFD800  }
0x45: {  	[tilespmem:s20], [sflag:$0x1] =	stream.strided.gather [hbm4b:s5+s18], $0x2800, s19, s18, $0x38;
	[tilespmem:$0x16F80] =	vst v63  }
0x46: {  	_ =	swait.ge [sflag:s17], $0x2800  }
0x47: {  	[sflag:s17] =	ssyncset.done $0x0  }
0x48: {  	[sflag:s17] =	ssyncadd.s32 $0xFFFFD800  }
0x49: {  	[tilespmem:s21], [sflag:$0x1] =	stream.strided.gather [hbm4b:s8+s18], $0x2800, s19, s18, $0x38;
	[tilespmem:$0x16F80] =	vst v63  }
0x4a: {  	_ =	swait.ge [sflag:s17], $0x2800  }
0x4b: {  	[sflag:s17] =	ssyncset.done $0x0  }
0x4c: {  	[sflag:s17] =	ssyncadd.s32 $0xFFFFD800  }
0x4d: {  	[tilespmem:s22], [sflag:$0x1] =	stream.linear.gather [hbm4b:s9+s3], $0x2800, $0x38;
	[tilespmem:$0x16F80] =	vst v63  }
0x4e: {  	_ =	swait.ge [sflag:s17], $0x2800  }
0x4f: {  	[sflag:s17] =	ssyncset.done $0x0  }
0x50: {  	[sflag:s17] =	ssyncadd.s32 $0xFFFFD800  }
0x51: {  	[tilespmem:s23], [sflag:$0x1] =	stream.linear.gather [hbm4b:s10+s3], $0x2800, $0x38;
	[tilespmem:$0x16F80] =	vst v63  }
0x52: {  	_ =	swait.ge [sflag:s17], $0x2800  }
0x53: {  	[sflag:s17] =	ssyncset.done $0x0  }
0x54: {  	[sflag:s17] =	ssyncadd.s32 $0xFFFFD800  }
0x55: {  	[tilespmem:s24], [sflag:$0x1] =	stream.linear.gather [hbm4b:s11+s3], $0x2800, $0x38;
	[tilespmem:$0x16F80] =	vst v63  }
0x56: {  	_ =	swait.ge [sflag:s17], $0x2800  }
0x57: {  	[sflag:s17] =	ssyncset.done $0x0  }
0x58: {  	[sflag:s17] =	ssyncadd.s32 $0xFFFFD800  }
0x59: {  	s28 =	simm.s32 $0x0;
	[bflag:$0x0] =	sbarrier.arrive $0xFFFF  }
0x5a: {  	v1 =	vld [tilespmem:s28+$0x7800];
	_ =	sdelay $0x1  }
0x5b: {  	v2 =	vld [tilespmem:s28+$0xA000];
	_ =	sdelay $0x4  }
0x5c: {  	v4 =	vld [tilespmem:s28+$0xC800]  }
0x5d: {  	v3 =	vld.idx.msk [tilespmem:v1+s3+$0x0], $0xffff;
	_ =	sdelay $0x1  }
0x5e: {  	v2 =	vld.idx.msk [tilespmem:v2+s3+$0x0], $0xffff;
	_ =	sdelay $0x2  }
0x5f: {  	v3 =	vmul.f32 v3, v4;
	_ =	sdelay $0x1  }
0x60: {  	v2 =	vmul.f32 v2, v3;
	_ =	sdelay $0x1  }
0x61: {  	[tilespmem:s28+$0xF000] =	vst v2  }
0x62: {  	v3 =	vld.idx.msk [tilespmem:v1+s20+$0x0], $0xffff;
	_ =	sdelay $0x4  }
0x63: {  	v3 =	vmul.f32 v3, v2;
	_ =	sdelay $0x1  }
0x64: {  	[tilespmem:s28+$0x11800] =	vst v3;
	v3 =	vld [tilespmem:s28+$0x7810]  }
0x65: {  	v1 =	vld.idx.msk [tilespmem:v1+s21+$0x0], $0xffff;
	_ =	sdelay $0x1  }
0x66: {  	v4 =	vld [tilespmem:s28+$0xA010];
	_ =	sdelay $0x2  }
0x67: {  	v1 =	vmul.f32 v1, v2;
	_ =	sdelay $0x1  }
0x68: {  	v2 =	vld [tilespmem:s28+$0xC810];
	[tilespmem:s28+$0x14000] =	vst v1  }
0x69: {  	v1 =	vld.idx.msk [tilespmem:v3+s3+$0x0], $0xffff;
	_ =	sdelay $0x1  }
0x6a: {  	v4 =	vld.idx.msk [tilespmem:v4+s3+$0x0], $0xffff;
	_ =	sdelay $0x2  }
0x6b: {  	v1 =	vmul.f32 v1, v2;
	_ =	sdelay $0x1  }
0x6c: {  	v1 =	vmul.f32 v4, v1;
	_ =	sdelay $0x1  }
0x6d: {  	[tilespmem:s28+$0xF010] =	vst v1  }
0x6e: {  	v2 =	vld.idx.msk [tilespmem:v3+s20+$0x0], $0xffff;
	_ =	sdelay $0x4  }
0x6f: {  	v2 =	vmul.f32 v2, v1;
	_ =	sdelay $0x1  }
0x70: {  	[tilespmem:s28+$0x11810] =	vst v2  }
0x71: {  	v2 =	vld.idx.msk [tilespmem:v3+s21+$0x0], $0xffff  }
0x72: {  	v3 =	vld [tilespmem:s28+$0x7820];
	_ =	sdelay $0x1  }
0x73: {  	v4 =	vld [tilespmem:s28+$0xA020];
	_ =	sdelay $0x2  }
0x74: {  	v1 =	vmul.f32 v2, v1;
	_ =	sdelay $0x1  }
0x75: {  	v2 =	vld [tilespmem:s28+$0xC820];
	[tilespmem:s28+$0x14010] =	vst v1  }
0x76: {  	v1 =	vld.idx.msk [tilespmem:v3+s3+$0x0], $0xffff;
	_ =	sdelay $0x1  }
0x77: {  	v4 =	vld.idx.msk [tilespmem:v4+s3+$0x0], $0xffff;
	_ =	sdelay $0x2  }
0x78: {  	v1 =	vmul.f32 v1, v2;
	_ =	sdelay $0x1  }
0x79: {  	v1 =	vmul.f32 v4, v1;
	_ =	sdelay $0x1  }
0x7a: {  	[tilespmem:s28+$0xF020] =	vst v1  }
0x7b: {  	v2 =	vld.idx.msk [tilespmem:v3+s20+$0x0], $0xffff;
	_ =	sdelay $0x4  }
0x7c: {  	v2 =	vmul.f32 v2, v1;
	_ =	sdelay $0x1  }
0x7d: {  	[tilespmem:s28+$0x11820] =	vst v2  }
0x7e: {  	v2 =	vld.idx.msk [tilespmem:v3+s21+$0x0], $0xffff  }
0x7f: {  	v3 =	vld [tilespmem:s28+$0x7830];
	_ =	sdelay $0x1  }
0x80: {  	v4 =	vld [tilespmem:s28+$0xA030];
	_ =	sdelay $0x2  }
0x81: {  	v1 =	vmul.f32 v2, v1;
	_ =	sdelay $0x1  }
0x82: {  	v2 =	vld [tilespmem:s28+$0xC830];
	[tilespmem:s28+$0x14020] =	vst v1  }
0x83: {  	v1 =	vld.idx.msk [tilespmem:v3+s3+$0x0], $0xffff;
	_ =	sdelay $0x1  }
0x84: {  	v4 =	vld.idx.msk [tilespmem:v4+s3+$0x0], $0xffff;
	_ =	sdelay $0x2  }
0x85: {  	v1 =	vmul.f32 v1, v2;
	_ =	sdelay $0x1  }
0x86: {  	v1 =	vmul.f32 v4, v1;
	_ =	sdelay $0x1  }
0x87: {  	[tilespmem:s28+$0xF030] =	vst v1  }
0x88: {  	v2 =	vld.idx.msk [tilespmem:v3+s20+$0x0], $0xffff;
	_ =	sdelay $0x4  }
0x89: {  	v2 =	vmul.f32 v2, v1;
	_ =	sdelay $0x1  }
0x8a: {  	[tilespmem:s28+$0x11830] =	vst v2  }
0x8b: {  	v2 =	vld.idx.msk [tilespmem:v3+s21+$0x0], $0xffff  }
0x8c: {  	v3 =	vld [tilespmem:s28+$0x7840];
	_ =	sdelay $0x1  }
0x8d: {  	v4 =	vld [tilespmem:s28+$0xA040];
	_ =	sdelay $0x2  }
0x8e: {  	v1 =	vmul.f32 v2, v1;
	_ =	sdelay $0x1  }
0x8f: {  	v2 =	vld [tilespmem:s28+$0xC840];
	[tilespmem:s28+$0x14030] =	vst v1  }
0x90: {  	v1 =	vld.idx.msk [tilespmem:v3+s3+$0x0], $0xffff;
	_ =	sdelay $0x1  }
0x91: {  	v4 =	vld.idx.msk [tilespmem:v4+s3+$0x0], $0xffff;
	_ =	sdelay $0x2  }
0x92: {  	v1 =	vmul.f32 v1, v2;
	_ =	sdelay $0x1  }
0x93: {  	v1 =	vmul.f32 v4, v1;
	_ =	sdelay $0x1  }
0x94: {  	[tilespmem:s28+$0xF040] =	vst v1  }
0x95: {  	v2 =	vld.idx.msk [tilespmem:v3+s20+$0x0], $0xffff;
	_ =	sdelay $0x4  }
0x96: {  	v2 =	vmul.f32 v2, v1;
	_ =	sdelay $0x1  }
0x97: {  	[tilespmem:s28+$0x11840] =	vst v2  }
0x98: {  	v2 =	vld.idx.msk [tilespmem:v3+s21+$0x0], $0xffff  }
0x99: {  	v3 =	vld [tilespmem:s28+$0x7850];
	_ =	sdelay $0x1  }
0x9a: {  	v4 =	vld [tilespmem:s28+$0xA050];
	_ =	sdelay $0x2  }
0x9b: {  	v1 =	vmul.f32 v2, v1;
	_ =	sdelay $0x1  }
0x9c: {  	[tilespmem:s28+$0x14040] =	vst v1;
	v1 =	vld [tilespmem:s28+$0xC850]  }
0x9d: {  	v2 =	vld.idx.msk [tilespmem:v3+s3+$0x0], $0xffff;
	_ =	sdelay $0x1  }
0x9e: {  	v4 =	vld.idx.msk [tilespmem:v4+s3+$0x0], $0xffff;
	_ =	sdelay $0x2  }
0x9f: {  	v1 =	vmul.f32 v2, v1;
	_ =	sdelay $0x1  }
0xa0: {  	v1 =	vmul.f32 v4, v1;
	_ =	sdelay $0x1  }
0xa1: {  	[tilespmem:s28+$0xF050] =	vst v1  }
0xa2: {  	v2 =	vld.idx.msk [tilespmem:v3+s20+$0x0], $0xffff;
	_ =	sdelay $0x4  }
0xa3: {  	v2 =	vmul.f32 v2, v1;
	_ =	sdelay $0x1  }
0xa4: {  	[tilespmem:s28+$0x11850] =	vst v2  }
0xa5: {  	v2 =	vld.idx.msk [tilespmem:v3+s21+$0x0], $0xffff  }
0xa6: {  	v3 =	vld [tilespmem:s28+$0x7860];
	_ =	sdelay $0x1  }
0xa7: {  	v4 =	vld [tilespmem:s28+$0xA060];
	_ =	sdelay $0x2  }
0xa8: {  	v1 =	vmul.f32 v2, v1;
	_ =	sdelay $0x1  }
0xa9: {  	[tilespmem:s28+$0x14050] =	vst v1;
	v1 =	vld [tilespmem:s28+$0xC860]  }
0xaa: {  	v2 =	vld.idx.msk [tilespmem:v3+s3+$0x0], $0xffff;
	_ =	sdelay $0x1  }
0xab: {  	v4 =	vld.idx.msk [tilespmem:v4+s3+$0x0], $0xffff;
	_ =	sdelay $0x2  }
0xac: {  	v1 =	vmul.f32 v2, v1;
	_ =	sdelay $0x1  }
0xad: {  	v1 =	vmul.f32 v4, v1;
	_ =	sdelay $0x1  }
0xae: {  	[tilespmem:s28+$0xF060] =	vst v1  }
0xaf: {  	v2 =	vld.idx.msk [tilespmem:v3+s20+$0x0], $0xffff;
	_ =	sdelay $0x4  }
0xb0: {  	v2 =	vmul.f32 v2, v1;
	_ =	sdelay $0x1  }
0xb1: {  	[tilespmem:s28+$0x11860] =	vst v2  }
0xb2: {  	v2 =	vld.idx.msk [tilespmem:v3+s21+$0x0], $0xffff  }
0xb3: {  	v3 =	vld [tilespmem:s28+$0x7870];
	_ =	sdelay $0x1  }
0xb4: {  	v4 =	vld [tilespmem:s28+$0xA070];
	_ =	sdelay $0x2  }
0xb5: {  	v1 =	vmul.f32 v2, v1;
	_ =	sdelay $0x1  }
0xb6: {  	[tilespmem:s28+$0x14060] =	vst v1;
	v1 =	vld [tilespmem:s28+$0xC870]  }
0xb7: {  	v2 =	vld.idx.msk [tilespmem:v3+s3+$0x0], $0xffff;
	_ =	sdelay $0x1  }
0xb8: {  	v4 =	vld.idx.msk [tilespmem:v4+s3+$0x0], $0xffff;
	_ =	sdelay $0x2  }
0xb9: {  	v1 =	vmul.f32 v2, v1;
	_ =	sdelay $0x1  }
0xba: {  	v4 =	vmul.f32 v4, v1;
	_ =	sdelay $0x1  }
0xbb: {  	[tilespmem:s28+$0xF070] =	vst v4  }
0xbc: {  	v1 =	vld.idx.msk [tilespmem:v3+s20+$0x0], $0xffff;
	_ =	sdelay $0x4  }
0xbd: {  	v1 =	vmul.f32 v1, v4;
	_ =	sdelay $0x1  }
0xbe: {  	[tilespmem:s28+$0x11870] =	vst v1  }
0xbf: {  	s31 =	simm.s32 $0x80;
	v3 =	vld.idx.msk [tilespmem:v3+s21+$0x0], $0xffff  }
0xc0: {  	v1 =	vld [tilespmem:s31+$0x7800];
	_ =	sdelay $0x1  }
0xc1: {  	v2 =	vld [tilespmem:s31+$0xA000];
	_ =	sdelay $0x2  }
0xc2: {  	s29 =	simm.s32 $0x400;
	v3 =	vmul.f32 v3, v4  }
.LBB2_2:
0xc3: {  	_ = 	snop  }
0xc4: {  	p1 =	sne.s32 s29, $0x9E00;
	s30 =	smov.u32 s29;
	s29 =	sadd.s32 $0x200, s29;
	[tilespmem:s28+$0x14070] =	vst v3  }
0xc5: {  	s28 =	smov.u32 s31;
	v3 =	vld.idx.msk [tilespmem:v1+s3+$0x0], $0xffff  }
0xc6: {  	v4 =	vld [tilespmem:s28+$0xC800]  }
0xc7: {  	v2 =	vld.idx.msk [tilespmem:v2+s3+$0x0], $0xffff;
	_ =	sdelay $0x3  }
0xc8: {  	v3 =	vmul.f32 v3, v4;
	_ =	sdelay $0x1  }
0xc9: {  	v2 =	vmul.f32 v2, v3;
	_ =	sdelay $0x1  }
0xca: {  	[tilespmem:s28+$0xF000] =	vst v2  }
0xcb: {  	v3 =	vld.idx.msk [tilespmem:v1+s20+$0x0], $0xffff;
	_ =	sdelay $0x5  }
0xcc: {  	v3 =	vmul.f32 v3, v2;
	_ =	sdelay $0x1  }
0xcd: {  	[tilespmem:s28+$0x11800] =	vst v3  }
0xce: {  	v1 =	vld.idx.msk [tilespmem:v1+s21+$0x0], $0xffff  }
0xcf: {  	v3 =	vld [tilespmem:s28+$0x7810];
	_ =	sdelay $0x1  }
0xd0: {  	v4 =	vld [tilespmem:s28+$0xA010];
	_ =	sdelay $0x2  }
0xd1: {  	v1 =	vmul.f32 v1, v2;
	_ =	sdelay $0x1  }
0xd2: {  	[tilespmem:s28+$0x14000] =	vst v1  }
0xd3: {  	v1 =	vld.idx.msk [tilespmem:v3+s3+$0x0], $0xffff  }
0xd4: {  	v2 =	vld [tilespmem:s28+$0xC810]  }
0xd5: {  	v4 =	vld.idx.msk [tilespmem:v4+s3+$0x0], $0xffff;
	_ =	sdelay $0x3  }
0xd6: {  	v1 =	vmul.f32 v1, v2;
	_ =	sdelay $0x1  }
0xd7: {  	v1 =	vmul.f32 v4, v1;
	_ =	sdelay $0x1  }
0xd8: {  	[tilespmem:s28+$0xF010] =	vst v1  }
0xd9: {  	v2 =	vld.idx.msk [tilespmem:v3+s20+$0x0], $0xffff;
	_ =	sdelay $0x5  }
0xda: {  	v2 =	vmul.f32 v2, v1;
	_ =	sdelay $0x1  }
0xdb: {  	[tilespmem:s28+$0x11810] =	vst v2  }
0xdc: {  	v2 =	vld.idx.msk [tilespmem:v3+s21+$0x0], $0xffff  }
0xdd: {  	v3 =	vld [tilespmem:s28+$0x7820];
	_ =	sdelay $0x1  }
0xde: {  	v4 =	vld [tilespmem:s28+$0xA020];
	_ =	sdelay $0x2  }
0xdf: {  	v1 =	vmul.f32 v2, v1;
	_ =	sdelay $0x1  }
0xe0: {  	[tilespmem:s28+$0x14010] =	vst v1  }
0xe1: {  	v1 =	vld.idx.msk [tilespmem:v3+s3+$0x0], $0xffff  }
0xe2: {  	v2 =	vld [tilespmem:s28+$0xC820]  }
0xe3: {  	v4 =	vld.idx.msk [tilespmem:v4+s3+$0x0], $0xffff;
	_ =	sdelay $0x3  }
0xe4: {  	v1 =	vmul.f32 v1, v2;
	_ =	sdelay $0x1  }
0xe5: {  	v1 =	vmul.f32 v4, v1;
	_ =	sdelay $0x1  }
0xe6: {  	[tilespmem:s28+$0xF020] =	vst v1  }
0xe7: {  	v2 =	vld.idx.msk [tilespmem:v3+s20+$0x0], $0xffff;
	_ =	sdelay $0x5  }
0xe8: {  	v2 =	vmul.f32 v2, v1;
	_ =	sdelay $0x1  }
0xe9: {  	[tilespmem:s28+$0x11820] =	vst v2  }
0xea: {  	v2 =	vld.idx.msk [tilespmem:v3+s21+$0x0], $0xffff  }
0xeb: {  	v3 =	vld [tilespmem:s28+$0x7830];
	_ =	sdelay $0x1  }
0xec: {  	v4 =	vld [tilespmem:s28+$0xA030];
	_ =	sdelay $0x2  }
0xed: {  	v1 =	vmul.f32 v2, v1;
	_ =	sdelay $0x1  }
0xee: {  	[tilespmem:s28+$0x14020] =	vst v1  }
0xef: {  	v1 =	vld.idx.msk [tilespmem:v3+s3+$0x0], $0xffff  }
0xf0: {  	v2 =	vld [tilespmem:s28+$0xC830]  }
0xf1: {  	v4 =	vld.idx.msk [tilespmem:v4+s3+$0x0], $0xffff;
	_ =	sdelay $0x3  }
0xf2: {  	v1 =	vmul.f32 v1, v2;
	_ =	sdelay $0x1  }
0xf3: {  	v1 =	vmul.f32 v4, v1;
	_ =	sdelay $0x1  }
0xf4: {  	[tilespmem:s28+$0xF030] =	vst v1  }
0xf5: {  	v2 =	vld.idx.msk [tilespmem:v3+s20+$0x0], $0xffff;
	_ =	sdelay $0x5  }
0xf6: {  	v2 =	vmul.f32 v2, v1;
	_ =	sdelay $0x1  }
0xf7: {  	[tilespmem:s28+$0x11830] =	vst v2  }
0xf8: {  	v2 =	vld.idx.msk [tilespmem:v3+s21+$0x0], $0xffff  }
0xf9: {  	v3 =	vld [tilespmem:s28+$0x7840];
	_ =	sdelay $0x1  }
0xfa: {  	v4 =	vld [tilespmem:s28+$0xA040];
	_ =	sdelay $0x2  }
0xfb: {  	v1 =	vmul.f32 v2, v1;
	_ =	sdelay $0x1  }
0xfc: {  	[tilespmem:s28+$0x14030] =	vst v1  }
0xfd: {  	v1 =	vld.idx.msk [tilespmem:v3+s3+$0x0], $0xffff  }
0xfe: {  	v2 =	vld [tilespmem:s28+$0xC840]  }
0xff: {  	v4 =	vld.idx.msk [tilespmem:v4+s3+$0x0], $0xffff;
	_ =	sdelay $0x3  }
0x100: {  	v1 =	vmul.f32 v1, v2;
	_ =	sdelay $0x1  }
0x101: {  	v1 =	vmul.f32 v4, v1;
	_ =	sdelay $0x1  }
0x102: {  	[tilespmem:s28+$0xF040] =	vst v1  }
0x103: {  	v2 =	vld.idx.msk [tilespmem:v3+s20+$0x0], $0xffff;
	_ =	sdelay $0x5  }
0x104: {  	v2 =	vmul.f32 v2, v1;
	_ =	sdelay $0x1  }
0x105: {  	[tilespmem:s28+$0x11840] =	vst v2  }
0x106: {  	v2 =	vld.idx.msk [tilespmem:v3+s21+$0x0], $0xffff  }
0x107: {  	v3 =	vld [tilespmem:s28+$0x7850]  }
0x108: {  	v4 =	vld [tilespmem:s28+$0xA050];
	_ =	sdelay $0x3  }
0x109: {  	v1 =	vmul.f32 v2, v1;
	_ =	sdelay $0x1  }
0x10a: {  	[tilespmem:s28+$0x14040] =	vst v1;
	v1 =	vld [tilespmem:s28+$0xC850]  }
0x10b: {  	v2 =	vld.idx.msk [tilespmem:v3+s3+$0x0], $0xffff  }
0x10c: {  	v4 =	vld.idx.msk [tilespmem:v4+s3+$0x0], $0xffff;
	_ =	sdelay $0x4  }
0x10d: {  	v1 =	vmul.f32 v2, v1;
	_ =	sdelay $0x1  }
0x10e: {  	v1 =	vmul.f32 v4, v1;
	_ =	sdelay $0x1  }
0x10f: {  	[tilespmem:s28+$0xF050] =	vst v1  }
0x110: {  	v2 =	vld.idx.msk [tilespmem:v3+s20+$0x0], $0xffff;
	_ =	sdelay $0x5  }
0x111: {  	v2 =	vmul.f32 v2, v1;
	_ =	sdelay $0x1  }
0x112: {  	[tilespmem:s28+$0x11850] =	vst v2  }
0x113: {  	v2 =	vld.idx.msk [tilespmem:v3+s21+$0x0], $0xffff  }
0x114: {  	v3 =	vld [tilespmem:s28+$0x7860]  }
0x115: {  	v4 =	vld [tilespmem:s28+$0xA060];
	_ =	sdelay $0x3  }
0x116: {  	v1 =	vmul.f32 v2, v1;
	_ =	sdelay $0x1  }
0x117: {  	[tilespmem:s28+$0x14050] =	vst v1;
	v1 =	vld [tilespmem:s28+$0xC860]  }
0x118: {  	v2 =	vld.idx.msk [tilespmem:v3+s3+$0x0], $0xffff  }
0x119: {  	v4 =	vld.idx.msk [tilespmem:v4+s3+$0x0], $0xffff;
	_ =	sdelay $0x4  }
0x11a: {  	v1 =	vmul.f32 v2, v1;
	_ =	sdelay $0x1  }
0x11b: {  	v1 =	vmul.f32 v4, v1;
	_ =	sdelay $0x1  }
0x11c: {  	[tilespmem:s28+$0xF060] =	vst v1  }
0x11d: {  	v2 =	vld.idx.msk [tilespmem:v3+s20+$0x0], $0xffff;
	_ =	sdelay $0x5  }
0x11e: {  	v2 =	vmul.f32 v2, v1;
	_ =	sdelay $0x1  }
0x11f: {  	[tilespmem:s28+$0x11860] =	vst v2  }
0x120: {  	v2 =	vld.idx.msk [tilespmem:v3+s21+$0x0], $0xffff  }
0x121: {  	v3 =	vld [tilespmem:s28+$0x7870]  }
0x122: {  	v4 =	vld [tilespmem:s28+$0xA070];
	_ =	sdelay $0x3  }
0x123: {  	v1 =	vmul.f32 v2, v1;
	_ =	sdelay $0x1  }
0x124: {  	[tilespmem:s28+$0x14060] =	vst v1;
	v1 =	vld [tilespmem:s28+$0xC870]  }
0x125: {  	v2 =	vld.idx.msk [tilespmem:v3+s3+$0x0], $0xffff  }
0x126: {  	v4 =	vld.idx.msk [tilespmem:v4+s3+$0x0], $0xffff;
	_ =	sdelay $0x4  }
0x127: {  	v1 =	vmul.f32 v2, v1;
	_ =	sdelay $0x1  }
0x128: {  	v4 =	vmul.f32 v4, v1;
	_ =	sdelay $0x1  }
0x129: {  	[tilespmem:s28+$0xF070] =	vst v4  }
0x12a: {  	v1 =	vld.idx.msk [tilespmem:v3+s20+$0x0], $0xffff;
	_ =	sdelay $0x5  }
0x12b: {  	v1 =	vmul.f32 v1, v4;
	_ =	sdelay $0x1  }
0x12c: {  	[tilespmem:s28+$0x11870] =	vst v1  }
0x12d: {  	s31 =	sshra.s32 s30, $0x2;
	v3 =	vld.idx.msk [tilespmem:v3+s21+$0x0], $0xffff  }
0x12e: {  	v1 =	vld [tilespmem:s31+$0x7800]  }
.Ltmp0:
0x12f: {  	v2 =	vld [tilespmem:s31+$0xA000];
	(pc) =	sbr.rel @p1 .LBB2_2-.Ltmp0, $2  }
0x130: {  	_ =	sdelay $0x2  }
0x131: {  	v3 =	vmul.f32 v3, v4  }
0x132: {  	_ =	sdelay $0x2  }
0x133: {  	[tilespmem:s28+$0x14070] =	vst v3  }
0x134: {  	v3 =	vld.idx.msk [tilespmem:v1+s3+$0x0], $0xffff  }
0x135: {  	v4 =	vld [tilespmem:s31+$0xC800];
	_ =	sdelay $0x1  }
0x136: {  	v2 =	vld.idx.msk [tilespmem:v2+s3+$0x0], $0xffff;
	_ =	sdelay $0x2  }
0x137: {  	v3 =	vmul.f32 v3, v4;
	_ =	sdelay $0x1  }
0x138: {  	v2 =	vmul.f32 v2, v3;
	_ =	sdelay $0x1  }
0x139: {  	[tilespmem:s31+$0xF000] =	vst v2  }
0x13a: {  	v3 =	vld.idx.msk [tilespmem:v1+s20+$0x0], $0xffff;
	_ =	sdelay $0x4  }
0x13b: {  	v3 =	vmul.f32 v3, v2;
	_ =	sdelay $0x1  }
0x13c: {  	[tilespmem:s31+$0x11800] =	vst v3;
	v3 =	vld [tilespmem:s31+$0x7810]  }
0x13d: {  	v1 =	vld.idx.msk [tilespmem:v1+s21+$0x0], $0xffff;
	_ =	sdelay $0x1  }
0x13e: {  	v57 =	vld [tilespmem:s31+$0xA010];
	_ =	sdelay $0x2  }
0x13f: {  	v1 =	vmul.f32 v1, v2;
	_ =	sdelay $0x1  }
0x140: {  	v2 =	vld [tilespmem:s31+$0xC810];
	[tilespmem:s31+$0x14000] =	vst v1  }
0x141: {  	v1 =	vld.idx.msk [tilespmem:v3+s3+$0x0], $0xffff;
	_ =	sdelay $0x1  }
0x142: {  	v4 =	vld.idx.msk [tilespmem:v57+s3+$0x0], $0xffff;
	_ =	sdelay $0x2  }
0x143: {  	v1 =	vmul.f32 v1, v2;
	_ =	sdelay $0x1  }
0x144: {  	v1 =	vmul.f32 v4, v1;
	_ =	sdelay $0x1  }
0x145: {  	[tilespmem:s31+$0xF010] =	vst v1  }
0x146: {  	v2 =	vld.idx.msk [tilespmem:v3+s20+$0x0], $0xffff;
	_ =	sdelay $0x4  }
0x147: {  	v2 =	vmul.f32 v2, v1;
	_ =	sdelay $0x1  }
0x148: {  	[tilespmem:s31+$0x11810] =	vst v2  }
0x149: {  	v2 =	vld.idx.msk [tilespmem:v3+s21+$0x0], $0xffff  }
0x14a: {  	v3 =	vld [tilespmem:s31+$0x7820];
	_ =	sdelay $0x1  }
0x14b: {  	v58 =	vld [tilespmem:s31+$0xA020];
	_ =	sdelay $0x2  }
0x14c: {  	v1 =	vmul.f32 v2, v1;
	_ =	sdelay $0x1  }
0x14d: {  	v2 =	vld [tilespmem:s31+$0xC820];
	[tilespmem:s31+$0x14010] =	vst v1  }
0x14e: {  	v1 =	vld.idx.msk [tilespmem:v3+s3+$0x0], $0xffff;
	_ =	sdelay $0x1  }
0x14f: {  	v4 =	vld.idx.msk [tilespmem:v58+s3+$0x0], $0xffff;
	_ =	sdelay $0x2  }
0x150: {  	v1 =	vmul.f32 v1, v2;
	_ =	sdelay $0x1  }
0x151: {  	v1 =	vmul.f32 v4, v1;
	_ =	sdelay $0x1  }
0x152: {  	[tilespmem:s31+$0xF020] =	vst v1  }
0x153: {  	v2 =	vld.idx.msk [tilespmem:v3+s20+$0x0], $0xffff;
	_ =	sdelay $0x4  }
0x154: {  	v2 =	vmul.f32 v2, v1;
	_ =	sdelay $0x1  }
0x155: {  	[tilespmem:s31+$0x11820] =	vst v2  }
0x156: {  	v2 =	vld.idx.msk [tilespmem:v3+s21+$0x0], $0xffff  }
0x157: {  	v3 =	vld [tilespmem:s31+$0x7830];
	_ =	sdelay $0x1  }
0x158: {  	v59 =	vld [tilespmem:s31+$0xA030];
	_ =	sdelay $0x2  }
0x159: {  	v1 =	vmul.f32 v2, v1;
	_ =	sdelay $0x1  }
0x15a: {  	v2 =	vld [tilespmem:s31+$0xC830];
	[tilespmem:s31+$0x14020] =	vst v1  }
0x15b: {  	v1 =	vld.idx.msk [tilespmem:v3+s3+$0x0], $0xffff;
	_ =	sdelay $0x1  }
0x15c: {  	v4 =	vld.idx.msk [tilespmem:v59+s3+$0x0], $0xffff;
	_ =	sdelay $0x2  }
0x15d: {  	v1 =	vmul.f32 v1, v2;
	_ =	sdelay $0x1  }
0x15e: {  	v1 =	vmul.f32 v4, v1;
	_ =	sdelay $0x1  }
0x15f: {  	[tilespmem:s31+$0xF030] =	vst v1  }
0x160: {  	v2 =	vld.idx.msk [tilespmem:v3+s20+$0x0], $0xffff;
	_ =	sdelay $0x4  }
0x161: {  	v2 =	vmul.f32 v2, v1;
	_ =	sdelay $0x1  }
0x162: {  	[tilespmem:s31+$0x11830] =	vst v2  }
0x163: {  	v2 =	vld.idx.msk [tilespmem:v3+s21+$0x0], $0xffff  }
0x164: {  	v3 =	vld [tilespmem:s31+$0x7840];
	_ =	sdelay $0x1  }
0x165: {  	v60 =	vld [tilespmem:s31+$0xA040];
	_ =	sdelay $0x2  }
0x166: {  	v1 =	vmul.f32 v2, v1;
	_ =	sdelay $0x1  }
0x167: {  	v2 =	vld [tilespmem:s31+$0xC840];
	[tilespmem:s31+$0x14030] =	vst v1  }
0x168: {  	v1 =	vld.idx.msk [tilespmem:v3+s3+$0x0], $0xffff;
	_ =	sdelay $0x1  }
0x169: {  	v4 =	vld.idx.msk [tilespmem:v60+s3+$0x0], $0xffff;
	_ =	sdelay $0x2  }
0x16a: {  	v1 =	vmul.f32 v1, v2;
	_ =	sdelay $0x1  }
0x16b: {  	v1 =	vmul.f32 v4, v1;
	_ =	sdelay $0x1  }
0x16c: {  	[tilespmem:s31+$0xF040] =	vst v1  }
0x16d: {  	v2 =	vld.idx.msk [tilespmem:v3+s20+$0x0], $0xffff;
	_ =	sdelay $0x4  }
0x16e: {  	v2 =	vmul.f32 v2, v1;
	_ =	sdelay $0x1  }
0x16f: {  	[tilespmem:s31+$0x11840] =	vst v2  }
0x170: {  	v2 =	vld.idx.msk [tilespmem:v3+s21+$0x0], $0xffff  }
0x171: {  	v3 =	vld [tilespmem:s31+$0x7850];
	_ =	sdelay $0x1  }
0x172: {  	v61 =	vld [tilespmem:s31+$0xA050];
	_ =	sdelay $0x2  }
0x173: {  	v1 =	vmul.f32 v2, v1;
	_ =	sdelay $0x1  }
0x174: {  	[tilespmem:s31+$0x14040] =	vst v1;
	v1 =	vld [tilespmem:s31+$0xC850]  }
0x175: {  	v2 =	vld.idx.msk [tilespmem:v3+s3+$0x0], $0xffff;
	_ =	sdelay $0x1  }
0x176: {  	v4 =	vld.idx.msk [tilespmem:v61+s3+$0x0], $0xffff;
	_ =	sdelay $0x2  }
0x177: {  	v1 =	vmul.f32 v2, v1;
	_ =	sdelay $0x1  }
0x178: {  	v1 =	vmul.f32 v4, v1;
	_ =	sdelay $0x1  }
0x179: {  	[tilespmem:s31+$0xF050] =	vst v1  }
0x17a: {  	v2 =	vld.idx.msk [tilespmem:v3+s20+$0x0], $0xffff;
	_ =	sdelay $0x4  }
0x17b: {  	v2 =	vmul.f32 v2, v1;
	_ =	sdelay $0x1  }
0x17c: {  	[tilespmem:s31+$0x11850] =	vst v2  }
0x17d: {  	v2 =	vld.idx.msk [tilespmem:v3+s21+$0x0], $0xffff  }
0x17e: {  	v3 =	vld [tilespmem:s31+$0x7860];
	_ =	sdelay $0x1  }
0x17f: {  	v62 =	vld [tilespmem:s31+$0xA060];
	_ =	sdelay $0x2  }
0x180: {  	v1 =	vmul.f32 v2, v1;
	_ =	sdelay $0x1  }
0x181: {  	[tilespmem:s31+$0x14050] =	vst v1;
	v1 =	vld [tilespmem:s31+$0xC860]  }
0x182: {  	v2 =	vld.idx.msk [tilespmem:v3+s3+$0x0], $0xffff;
	_ =	sdelay $0x1  }
0x183: {  	v4 =	vld.idx.msk [tilespmem:v62+s3+$0x0], $0xffff;
	_ =	sdelay $0x2  }
0x184: {  	v1 =	vmul.f32 v2, v1;
	_ =	sdelay $0x1  }
0x185: {  	v1 =	vmul.f32 v4, v1;
	_ =	sdelay $0x1  }
0x186: {  	[tilespmem:s31+$0xF060] =	vst v1  }
0x187: {  	v2 =	vld.idx.msk [tilespmem:v3+s20+$0x0], $0xffff;
	_ =	sdelay $0x4  }
0x188: {  	v2 =	vmul.f32 v2, v1;
	_ =	sdelay $0x1  }
0x189: {  	[tilespmem:s31+$0x11860] =	vst v2  }
0x18a: {  	v2 =	vld.idx.msk [tilespmem:v3+s21+$0x0], $0xffff  }
0x18b: {  	v3 =	vld [tilespmem:s31+$0x7870];
	_ =	sdelay $0x1  }
0x18c: {  	v63 =	vld [tilespmem:s31+$0xA070];
	_ =	sdelay $0x2  }
0x18d: {  	v1 =	vmul.f32 v2, v1;
	_ =	sdelay $0x1  }
0x18e: {  	[tilespmem:s31+$0x14060] =	vst v1;
	v1 =	vld [tilespmem:s31+$0xC870]  }
0x18f: {  	v2 =	vld.idx.msk [tilespmem:v3+s3+$0x0], $0xffff;
	_ =	sdelay $0x1  }
0x190: {  	v4 =	vld.idx.msk [tilespmem:v63+s3+$0x0], $0xffff;
	_ =	sdelay $0x2  }
0x191: {  	v1 =	vmul.f32 v2, v1;
	_ =	sdelay $0x1  }
0x192: {  	v1 =	vmul.f32 v4, v1;
	_ =	sdelay $0x1  }
0x193: {  	[tilespmem:s31+$0xF070] =	vst v1  }
0x194: {  	v2 =	vld.idx.msk [tilespmem:v3+s20+$0x0], $0xffff;
	_ =	sdelay $0x4  }
0x195: {  	v2 =	vmul.f32 v2, v1;
	_ =	sdelay $0x1  }
0x196: {  	[tilespmem:s31+$0x11870] =	vst v2  }
0x197: {  	v2 =	vld.idx.msk [tilespmem:v3+s21+$0x0], $0xffff;
	_ =	sdelay $0x4  }
0x198: {  	v1 =	vmul.f32 v2, v1;
	_ =	sdelay $0x1  }
0x199: {  	s28 =	simm.s32 $0x0;
	[tilespmem:s31+$0x14070] =	vst v1  }
0x19a: {  	[hbm4b:s12+s28] =	stream.linear.scatter [tilespmem:s25], [sflag:$0x1], $0x2800, $0x38;
	[tilespmem:$0x16F80] =	vst v63  }
0x19b: {  	_ =	swait.ge [sflag:s17], $0x2800  }
0x19c: {  	[sflag:s17] =	ssyncset.done $0x0  }
0x19d: {  	s29 =	simm.s32 $0xA000;
	s28 =	simm.s32 $0x11800;
	[sflag:s17] =	ssyncadd.s32 $0xFFFFD800  }
0x19e: {  	[spmem:s1] =	stream.indirect.scatter.add.f32 [tilespmem:s28], [sflag:$0x1], $0x1, s29, s18, $0xb8;
	[tilespmem:$0x16F80] =	vst v63  }
0x19f: {  	_ =	swait.ge [sflag:s17], $0x80  }
0x1a0: {  	[sflag:s17] =	ssyncset.done $0x0  }
0x1a1: {  	s28 =	simm.s32 $0x14000;
	[sflag:s17] =	ssyncadd.s32 $0xFFFFFF80  }
0x1a2: {  	[spmem:s2] =	stream.indirect.scatter.add.f32 [tilespmem:s28], [sflag:$0x1], $0x1, s29, s18, $0xb8;
	[tilespmem:$0x16F80] =	vst v63  }
0x1a3: {  	_ =	swait.ge [sflag:s17], $0x80  }
0x1a4: {  	s29 =	simm.s32 $0x400;
	s28 =	simm.s32 $0x80;
	[sflag:s17] =	ssyncset.done $0x0  }
.LBB2_4:
0x1a5: {  	s30 =	sadd.s32 $0x11800, s28  }
0x1a6: {  	s31 =	sadd.s32 $0xA000, s28;
	[sflag:s17] =	ssyncadd.s32 $0xFFFFFF80;
	s0 =	smov.u32 s29  }
0x1a7: {  	[spmem:s1] =	stream.indirect.scatter.add.f32 [tilespmem:s30], [sflag:$0x1], $0x1, s31, s18, $0xb8;
	[tilespmem:$0x16F80] =	vst v63  }
0x1a8: {  	p1 =	sne.s32 s29, $0x9E00;
	s29 =	sadd.s32 $0x200, s29;
	_ =	swait.ge [sflag:s17], $0x80  }
.Ltmp1:
0x1a9: {  	[sflag:s17] =	ssyncset.done $0x0;
	(pc) =	sbr.rel @p1 .LBB2_4-.Ltmp1, $4  }
0x1aa: {  	s28 =	sadd.s32 $0x14000, s28;
	[sflag:s17] =	ssyncadd.s32 $0xFFFFFF80  }
0x1ab: {  	[spmem:s2] =	stream.indirect.scatter.add.f32 [tilespmem:s28], [sflag:$0x1], $0x1, s31, s18, $0xb8;
	[tilespmem:$0x16F80] =	vst v63  }
0x1ac: {  	_ =	swait.ge [sflag:s17], $0x80  }
0x1ad: {  	s28 =	sshra.s32 s0, $0x2;
	[sflag:s17] =	ssyncset.done $0x0  }
0x1ae: {  	s0 =	sadd.s32 $0x11800, s28;
	s29 =	sadd.s32 $0xA000, s28;
	[sflag:s17] =	ssyncadd.s32 $0xFFFFFF80  }
0x1af: {  	[spmem:s1] =	stream.indirect.scatter.add.f32 [tilespmem:s0], [sflag:$0x1], $0x1, s29, s18, $0xb8;
	[tilespmem:$0x16F80] =	vst v63  }
0x1b0: {  	_ =	swait.ge [sflag:s17], $0x80  }
0x1b1: {  	[sflag:s17] =	ssyncset.done $0x0  }
0x1b2: {  	s31 =	sadd.s32 $0x14000, s28;
	[sflag:s17] =	ssyncadd.s32 $0xFFFFFF80  }
0x1b3: {  	[spmem:s2] =	stream.indirect.scatter.add.f32 [tilespmem:s31], [sflag:$0x1], $0x1, s29, s18, $0xb8;
	[tilespmem:$0x16F80] =	vst v63  }
0x1b4: {  	_ =	swait.ge [sflag:s17], $0x80  }
0x1b5: {  	s28 =	simm.s32 @!p0 $0x1;
	[sflag:s17] =	ssyncset.done $0x0  }
0x1b6: {  	s30 =	simm.s32 @!p0 $0x10;
	s0 =	sshrl.u32 @!p0 s1, $0x3;
	[sflag:s17] =	ssyncadd.s32 $0xFFFFFF80  }
0x1b7: {  	s29 =	simm.s32 @!p0 $0x20;
	s31 =	simm.s32 @!p0 $0x1C01;
	[bflag:$0x0] =	sbarrier.arrive $0xFFFF  }
0x1b8: {  	[hbm:s13@s29], [sflag:s31] =	dma.strided @!p0 [spmem:s0@s30], $0x500, s28, $0x10   }
0x1b9: {  	s26 =	sadd.s32 $0x1, s26;
	_ =	swait.ge @!p0 [sflag:s28], $0x500  }
0x1ba: {  	p1 =	sne.s32 s26, s15;
	[sflag:s28] =	ssyncset.done @!p0 $0x0  }
.Ltmp2:
0x1bb: {  	s0 =	sshrl.u32 @!p0 s2, $0x3;
	[sflag:s28] =	ssyncadd.s32 @!p0 $0xFFFFFB00;
	(pc) =	sbr.rel @p1 .LBB2_1-.Ltmp2, $4  }
0x1bc: {  	[hbm:s14@s29], [sflag:s31] =	dma.strided @!p0 [spmem:s0@s30], $0x500, s28, $0x10   }
0x1bd: {  	_ =	swait.ge @!p0 [sflag:s28], $0x500  }
0x1be: {  	[sflag:s28] =	ssyncset.done @!p0 $0x0  }
0x1bf: {  	[sflag:s28] =	ssyncadd.s32 @!p0 $0xFFFFFB00  }
0x1c0: {  	_ =	sfence.sel $0x180000  }
0x1c1: {  	[bflag:$0x0] =	sbarrier.arrive $0xFFFF  }
0x1c2: {  	_ =	strace $0x9000004A  }
0x1c3: {  	[bflag:$0x2] =	sbarrier.arrive $0xFFFF  }
0x1c4: {  	s0 =	rddreg [dreg:$0x3]  }
0x1c5: {  	s0 =	sadd.s32 @!p0 $0x100000, s0  }
0x1c6: {  	[sflag:s0] =	ssyncadd.tile.s32 @!p0 $0x1;
	_ =	shalt  }
.Lfunc_end2:
_tile_overlayer_lowered:
.L_overlay_start_2:
0x1c7: {  	(tag) =	ssettag $0x2  }
0x1c8: {  	s0 =	rddreg [dreg:$0x0];
	s2 =	stileid.u32  }
0x1c9: {  	s1 =	rddreg [dreg:$0x1];
	p0 =	sne.s32 s2, $0x0  }
0x1ca: {  	s3 =	rddreg [dreg:$0x2];
	[bflag:$0x3] =	sbarrier.arrive $0xFFFF;
	s2 =	simm.s32 @!p0 $0x1C01  }
0x1cb: {  	[timem:s3], [sflag:s2] =	dma.local @!p0 [hbm:s0], s1  }
0x1cc: {  	s0 =	simm.s32 @!p0 $0x1  }
0x1cd: {  	_ =	swait.ge @!p0 [sflag:s0], s1  }
0x1ce: {  	s1 =	ssub.s32 @!p0 $0x0, s1;
	[sflag:s0] =	ssyncset.done @!p0 $0x0  }
0x1cf: {  	[sflag:s0] =	ssyncadd.s32 @!p0 s1  }
0x1d0: {  	[bflag:$0x3] =	sbarrier.arrive $0xFFFF  }
0x1d1: {  	_ =	shalt  }

// kernel: kernel.15.cloned.1.call-start
scs
__scs_entry_jumppad:
0x0: {  	(pc) =	sbr.rel $0x88, $3  }
0x1: {  	(tag) =	ssettag $0x0;
	lr =	simm.s32 $0x1  }
0x2: {  	[smem:$0x3F96] =	sst lr;
	_ =	strace $0xD0000000  }
0x3: {  	_ = 	snop  }
0x4: {  	_ = 	snop  }
0x5: {  	_ = 	snop  }
0x6: {  	_ = 	snop  }
0x7: {  	_ = 	snop  }
__scs_overlays_trampoline_lowered:
0x8: {  	[smem:$0x3FA5] =	sst s0  }
0x9: {  	[smem:$0x3FA6] =	sst s1  }
0xa: {  	[smem:$0x3FA7] =	sst s2  }
0xb: {  	[smem:$0x3FA8] =	sst s3  }
0xc: {  	[smem:$0x3FA9] =	sst s4  }
0xd: {  	[smem:$0x3FAA] =	sst s5  }
0xe: {  	[smem:$0x3FAB] =	sst s6  }
0xf: {  	[smem:$0x3FAC] =	sst s7  }
0x10: {  	[smem:$0x3FAD] =	sst s8  }
0x11: {  	[smem:$0x3FAE] =	sst s9;
	s0 =	simm.s32 @!p0 $0x0  }
0x12: {  	s1 =	sld [smem:$0x3F94];
	s0 =	simm.s32 @p0 $0x1  }
0x13: {  	[smem:$0x3FAF] =	sst s0;
	s0 =	simm.s32 @!p1 $0x0  }
0x14: {  	s2 =	sld [smem:$0x3F93];
	s0 =	simm.s32 @p1 $0x1  }
0x15: {  	[smem:$0x3FB0] =	sst s0;
	s0 =	simm.s32 @!p2 $0x0  }
0x16: {  	s3 =	sld [smem:$0x3FDB];
	s0 =	simm.s32 @p2 $0x1  }
0x17: {  	s4 =	simm.s32 $0x1BF5;
	[smem:$0x3FB2] =	sst s0  }
0x18: {  	s0 =	sld [smem:$0x3F95];
	_ =	swait.ge [sflag:s4], $0x0  }
0x19: {  	s7 =	sld [smem:$0x3F96]  }
0x1a: {  	s8 =	sadd.s32 $0xFFFFE003, lr  }
0x1b: {  	s9 =	sadd.s32 $0xFFFFFEF7, lr;
	s5 =	simm.s32 $0xFFFFFFFF;
	p2 =	slt.u32 s8, $0xFFFFF086  }
0x1c: {  	p1 =	slt.u32 s9, $0xF7A;
	s5 =	simm.s32 @!p2 $0x0  }
0x1d: {  	s5 =	simm.s32 @p1 $0x1;
	p0 =	seq.s32 s7, s2  }
0x1e: {  	s7 =	smul.u32 @!p0 $0xF7A, s2;
	p2 =	seq.s32 @!p0 s5, $0x0  }
0x1f: {  	s9 =	smul.u32 $0xF7A, s1;
	s8 =	simm.s32 @!p0 $0x1BF5;
	p2 =	por !p2, p0  }
0x20: {  	[sflag:s8] =	ssyncset.s32 @!p0 $0xFFFFF086;
	s6 =	sadd.s32 @!p0 s3, s7;
	s7 =	simm.s32 @!p0 $0x108  }
0x21: {  	s3 =	sadd.s32 s3, s9;
	s6 =	sadd.s32 @!p0 $0x88, s6;
	s7 =	simm.s32 @p2 $0x1082  }
0x22: {  	[simem:s7], [sflag:s8] =	dma.local @!p0 [hbm:s6], $0xF7A  }
0x23: {  	s9 =	sor.u32 $0xD0000000, s2;
	s6 =	simm.s32 $0x108;
	_ =	swait.ge @!p0 [sflag:s8], $0x0  }
0x24: {  	s3 =	sadd.s32 $0x88, s3;
	s6 =	simm.s32 @!p1 $0x1082;
	[sflag:s4] =	ssyncset.s32 $0xFFFFF086  }
0x25: {  	[simem:s6], [sflag:s4] =	dma.local [hbm:s3], $0xF7A  }
0x26: {  	[smem:$0x3F96] =	sst s1;
	(tag) =	ssettag s2;
	_ =	strace s9  }
0x27: {  	s1 =	sld [smem:$0x3FA6]  }
0x28: {  	s2 =	sld [smem:$0x3FA7]  }
0x29: {  	s4 =	sld [smem:$0x3FA9]  }
0x2a: {  	p0 =	seq.s32 s5, $0x0;
	s5 =	sld [smem:$0x3FAA]  }
0x2b: {  	s6 =	sld [smem:$0x3FAB]  }
0x2c: {  	s7 =	sld [smem:$0x3FAC]  }
0x2d: {  	s3 =	simm.s32 $0x108;
	s8 =	sld [smem:$0x3FAD]  }
0x2e: {  	s3 =	simm.s32 @!p0 $0x1082;
	s9 =	sld [smem:$0x3FAE]  }
0x2f: {  	lr =	sadd.s32 s0, s3;
	s0 =	sld [smem:$0x3FA5]  }
0x30: {  	s3 =	sld [smem:$0x3FA8]  }
0x31: {  	[smem:$0x3FB1] =	sst s10  }
0x32: {  	s10 =	sld [smem:$0x3FAF];
	_ =	sdelay $0x3  }
0x33: {  	p0 =	seq.s32 s10, $0x1;
	s10 =	sld [smem:$0x3FB1];
	_ =	sdelay $0x3  }
0x34: {  	[smem:$0x3FB1] =	sst s10  }
0x35: {  	s10 =	sld [smem:$0x3FB0];
	_ =	sdelay $0x3  }
0x36: {  	p1 =	seq.s32 s10, $0x1;
	s10 =	sld [smem:$0x3FB1];
	_ =	sdelay $0x3  }
0x37: {  	[smem:$0x3FB1] =	sst s10  }
0x38: {  	s10 =	sld [smem:$0x3FB2]  }
0x39: {  	_ = 	snop;
	(pc) =	sbr.ind lr, $3  }
0x3a: {  	_ = 	snop  }
0x3b: {  	_ = 	snop  }
0x3c: {  	p2 =	seq.s32 s10, $0x1;
	s10 =	sld [smem:$0x3FB1]  }
0x3d: {  	_ =	shalt  }
0x3e: {  	_ =	shalt  }
0x3f: {  	_ =	shalt  }
0x40: {  	_ =	shalt  }
0x41: {  	_ =	shalt  }
0x42: {  	_ =	shalt  }
0x43: {  	_ =	shalt  }
0x44: {  	_ =	shalt  }
0x45: {  	_ =	shalt  }
0x46: {  	_ =	shalt  }
0x47: {  	_ =	shalt  }
0x48: {  	_ =	shalt  }
0x49: {  	_ =	shalt  }
0x4a: {  	_ =	shalt  }
0x4b: {  	_ =	shalt  }
0x4c: {  	_ =	shalt  }
0x4d: {  	_ =	shalt  }
0x4e: {  	_ =	shalt  }
0x4f: {  	_ =	shalt  }
0x50: {  	_ =	shalt  }
0x51: {  	_ =	shalt  }
0x52: {  	_ =	shalt  }
0x53: {  	_ =	shalt  }
0x54: {  	_ =	shalt  }
0x55: {  	_ =	shalt  }
0x56: {  	_ =	shalt  }
0x57: {  	_ =	shalt  }
0x58: {  	_ =	shalt  }
0x59: {  	_ =	shalt  }
0x5a: {  	_ =	shalt  }
0x5b: {  	_ =	shalt  }
0x5c: {  	_ =	shalt  }
0x5d: {  	_ =	shalt  }
0x5e: {  	_ =	shalt  }
0x5f: {  	_ =	shalt  }
0x60: {  	_ =	shalt  }
0x61: {  	_ =	shalt  }
0x62: {  	_ =	shalt  }
0x63: {  	_ =	shalt  }
0x64: {  	_ =	shalt  }
0x65: {  	_ =	shalt  }
0x66: {  	_ =	shalt  }
0x67: {  	_ =	shalt  }
0x68: {  	_ =	shalt  }
0x69: {  	_ =	shalt  }
0x6a: {  	_ =	shalt  }
0x6b: {  	_ =	shalt  }
0x6c: {  	_ =	shalt  }
0x6d: {  	_ =	shalt  }
0x6e: {  	_ =	shalt  }
0x6f: {  	_ =	shalt  }
0x70: {  	_ =	shalt  }
0x71: {  	_ =	shalt  }
0x72: {  	_ =	shalt  }
0x73: {  	_ =	shalt  }
0x74: {  	_ =	shalt  }
0x75: {  	_ =	shalt  }
0x76: {  	_ =	shalt  }
0x77: {  	_ =	shalt  }
0x78: {  	_ =	shalt  }
0x79: {  	_ =	shalt  }
0x7a: {  	_ =	shalt  }
0x7b: {  	_ =	shalt  }
0x7c: {  	_ =	shalt  }
0x7d: {  	_ =	shalt  }
0x7e: {  	_ =	shalt  }
0x7f: {  	_ =	shalt  }
0x80: {  	_ =	shalt  }
0x81: {  	_ =	shalt  }
0x82: {  	_ =	shalt  }
0x83: {  	_ =	shalt  }
0x84: {  	_ =	shalt  }
0x85: {  	_ =	shalt  }
0x86: {  	_ =	shalt  }
0x87: {  	_ =	shalt  }
.Lfunc_end0:
.L_simem_size_0:
called_computation.2_lowered:
.L_overlay_start_0:
0x88: {  	s2 =	sld [smem:$0x3FD9]  }
0x89: {  	s3 =	sld [smem:$0x3FFE];
	_ =	sdelay $0x1  }
0x8a: {  	s1 =	srdreg.scid  }
0x8b: {  	s0 =	sand.u32 $0x1, s1  }
0x8c: {  	s16 =	sshll.u32 s0, $0xA;
	s2 =	sadd.s32 s3, s2  }
0x8d: {  	s2 =	sadd.s32 s2, s16  }
0x8e: {  	[smem:$0x3FBD] =	sst s2  }
0x8f: {  	_ = 	snop  }
0x90: {  	(tm) =	ssettm $0x1  }
0x91: {  	s17 =	sld [smem:$0x3FFB];
	_ =	sdelay $0x3  }
0x92: {  	_ =	strace s17  }
0x93: {  	s2 =	sld [smem:$0x3FFC];
	_ =	sdelay $0x3  }
0x94: {  	_ =	strace s2  }
0x95: {  	s2 =	sld [smem:$0x3FFD];
	_ =	sdelay $0x3  }
0x96: {  	_ =	strace s2  }
0x97: {  	_ =	strace $0x8FFFFFFF  }
0x98: {  	s18 =	sld [smem:$0x3FDB];
	_ =	sdelay $0x1  }
0x99: {  	s19 =	simm.s32 $_scs_section_size  }
0x9a: {  	s4 =	simm.s32 $_size__tile_overlayer_lowered;
	s5 =	simm.s32 $_tile_overlayer_lowered  }
0x9b: {  	s22 =	simm.s32 $0x1BFF;
	s21 =	sshll.u32 s5, $0x1;
	s2 =	sadd.s32 s19, s18  }
0x9c: {  	s6 =	simm.s32 $0x0;
	s20 =	sshll.u32 s4, $0x1;
	s4 =	sadd.s32 s21, s2  }
0x9d: {  	[timem:s6], [sflag:s22] =	dma.local [hbm:s4], s20  }
0x9e: {  	_ =	swait.ge [sflag:s22], s20  }
0x9f: {  	s3 =	ssub.s32 $0x0, s20;
	[sflag:s22] =	ssyncset.done $0x0  }
0xa0: {  	[sflag:s22] =	ssyncadd.s32 s3;
	_ =	sdelay $0x1  }
0xa1: {  	s23 =	simm.s32 $0x1B8B  }
0xa2: {  	_ =	swait.ge [sflag:s23], $0x1  }
0xa3: {  	[sflag:s23] =	ssyncset.done $0x0  }
0xa4: {  	s25 =	simm.s32 $0x1B8E;
	s24 =	sld [smem:$0x3FFE];
	[sflag:s23] =	ssyncadd.s32 $0xFFFFFFFF  }
0xa5: {  	s26 =	simm.s32 $execute0_lowered;
	[smem:$0x3FD2] =	sst s25  }
0xa6: {  	s4 =	sshll.u32 s26, $0x1;
	_ =	strace $0x8000004C;
	[dreg:$0x1] =	wrdreg $0xFFFFFFFF  }
0xa7: {  	s28 =	simm.s32 $_size_execute0_lowered;
	s2 =	sadd.s32 s2, s4;
	[dreg:$0x0] =	wrdreg $0x0  }
0xa8: {  	s4 =	sshll.u32 s28, $0x1;
	[dreg:$0x2] =	wrdreg s2  }
0xa9: {  	[dreg:$0x3] =	wrdreg s4  }
0xaa: {  	[dreg:$0x4] =	wrdreg $0xC0  }
0xab: {  	_ =	task [dreg:s6], $0x5FFFF  }
0xac: {  	[dreg:$0x1] =	wrdreg $0xFFFFFFFF  }
0xad: {  	[dreg:$0x0] =	wrdreg $0x60  }
0xae: {  	[dreg:$0x2] =	wrdreg s24  }
0xaf: {  	[dreg:$0x3] =	wrdreg $0xCA800  }
0xb0: {  	[dreg:$0x4] =	wrdreg $0x9  }
0xb1: {  	_ =	task.clear_ibuf [dreg:s6], $0x5FFFF;
	_ =	strace $0x9000004C  }
0xb2: {  	s29 =	simm.s32 $0x9;
	_ =	strace $0x8000004E  }
0xb3: {  	_ =	swait.ge [sflag:s29], $0x1  }
0xb4: {  	[sflag:s29] =	ssyncadd.s32 $0xFFFFFFFF  }
0xb5: {  	_ =	strace $0x9000004E  }
0xb6: {  	_ =	sfence  }
0xb7: {  	s30 =	sld [smem:$0x0];
	_ =	sdelay $0x2  }
0xb8: {  	s31 =	sshll.u32 s1, $0xD;
	s1 =	sshrl.u32 s1, $0x2  }
0xb9: {  	s3 =	sand.u32 $0x4000, s31;
	s1 =	sadd.s32 s1, s30  }
0xba: {  	s0 =	sor.u32 s3, s0;
	s1 =	sshll.u32 s1, $0x11  }
0xbb: {  	s0 =	sor.u32 s1, s0  }
0xbc: {  	s0 =	sadd.s32 $0x8F2B, s0  }
0xbd: {  	[sflag:s0] =	ssyncadd.remote.s32 $0x1  }
0xbe: {  	_ =	sfence.sel $0xFFFF  }
0xbf: {  	[dreg:$0x0] =	wrdreg $0xFFFFFFFF;
	(pc) =	sbr.abs _section_cstart, $3  }
0xc0: {  	[dreg:$0x1] =	wrdreg $0xFFFFFFFF  }
0xc1: {  	_ =	task.clear_ibuf [dreg:s6], $0x2FFFF;
	_ =	strace $0x9FFFFFFF  }
0xc2: {  	(tm) =	ssettm $0x7FFFFFFF  }
0xc3: {  	_ =	shalt  }
tec
execute0_lowered:
.L_overlay_start_1:
0x0: {  	(tag) =	ssettag $0x1  }
0x1: {  	s0 =	srdreg.scid;
	s4 =	rddreg [dreg:$0x0]  }
0x2: {  	s1 =	rddreg [dreg:$0x1];
	s15 =	stileid.u32;
	s2 =	simm.s32 $0x0  }
0x3: {  	s12 =	simm.s32 $0x2800;
	s13 =	simm.s32 $0x5000;
	s14 =	simm.s32 $0x7800  }
0x4: {  	s17 =	simm.s32 $0x0;
	s3 =	sand.u32 $0x1, s0;
	s0 =	rddreg [dreg:$0x2]  }
0x5: {  	[smem:$0x7FF] =	sst s2;
	s8 =	smul.u32 $0xA00, s15;
	p0 =	sne.s32 s15, $0x0  }
0x6: {  	s5 =	sshll.u32 s3, $0x4;
	_ =	strace $0x8000004D;
	s7 =	ssub.s32 $0x2, s3  }
0x7: {  	s3 =	sadd.s32 $0x20E00, s4;
	s16 =	sshrl.u32 @!p0 s1, $0x3;
	s6 =	sor.u32 s15, s5  }
0x8: {  	s30 =	sshrl.u32 s7, $0x1;
	s10 =	sadd.s32 s5, s4;
	s6 =	smul.u32 $0x500, s6  }
0x9: {  	s31 =	sshrl.u32 s8, $0x2;
	s15 =	simm.s32 $0x80;
	s11 =	ssub.s32 s7, s30  }
0xa: {  	s8 =	sadd.s32 $0x21400, s10;
	s10 =	simm.s32 $0xC800;
	s9 =	sadd.s32 s6, s4  }
0xb: {  	s4 =	sadd.s32 s31, s1;
	s5 =	sadd.s32 $0xCE00, s9;
	s6 =	sadd.s32 $0x16E00, s9  }
0xc: {  	v0 =	vimm.f32 $0.0e+00;
	s7 =	sadd.s32 $0x23600, s9;
	s9 =	smax.u32 s11, $0x1;
	s11 =	simm.s32 $0x1  }
.LBB2_1:
0xd: {  	[tilespmem:$0xC800] =	vst v0  }
0xe: {  	[tilespmem:$0xC810] =	vst v0  }
0xf: {  	[tilespmem:$0xC820] =	vst v0  }
0x10: {  	[tilespmem:$0xC830] =	vst v0  }
0x11: {  	[tilespmem:$0xC840] =	vst v0  }
0x12: {  	[tilespmem:$0xC850] =	vst v0  }
0x13: {  	[tilespmem:$0xC860] =	vst v0  }
0x14: {  	[tilespmem:$0xC870] =	vst v0  }
0x15: {  	[tilespmem:$0xC880] =	vst v0  }
0x16: {  	[tilespmem:$0xC890] =	vst v0  }
0x17: {  	[tilespmem:$0xC8A0] =	vst v0  }
0x18: {  	[tilespmem:$0xC8B0] =	vst v0  }
0x19: {  	[tilespmem:$0xC8C0] =	vst v0  }
0x1a: {  	[tilespmem:$0xC8D0] =	vst v0  }
0x1b: {  	[tilespmem:$0xC8E0] =	vst v0  }
0x1c: {  	[tilespmem:$0xC8F0] =	vst v0  }
0x1d: {  	[tilespmem:$0xC900] =	vst v0  }
0x1e: {  	[tilespmem:$0xC910] =	vst v0  }
0x1f: {  	[tilespmem:$0xC920] =	vst v0  }
0x20: {  	[tilespmem:$0xC930] =	vst v0  }
0x21: {  	[tilespmem:$0xC940] =	vst v0  }
0x22: {  	[tilespmem:$0xC950] =	vst v0  }
0x23: {  	[tilespmem:$0xC960] =	vst v0  }
0x24: {  	[tilespmem:$0xC970] =	vst v0  }
0x25: {  	[tilespmem:$0xC980] =	vst v0  }
0x26: {  	[tilespmem:$0xC990] =	vst v0  }
0x27: {  	[tilespmem:$0xC9A0] =	vst v0  }
0x28: {  	[tilespmem:$0xC9B0] =	vst v0  }
0x29: {  	[tilespmem:$0xC9C0] =	vst v0  }
0x2a: {  	[tilespmem:$0xC9D0] =	vst v0  }
0x2b: {  	[tilespmem:$0xC9E0] =	vst v0  }
0x2c: {  	[tilespmem:$0xC9F0] =	vst v0  }
0x2d: {  	[tilespmem:$0xCA00] =	vst v0  }
0x2e: {  	[tilespmem:$0xCA10] =	vst v0  }
0x2f: {  	[tilespmem:$0xCA20] =	vst v0  }
0x30: {  	[tilespmem:$0xCA30] =	vst v0  }
0x31: {  	[tilespmem:$0xCA40] =	vst v0  }
0x32: {  	[tilespmem:$0xCA50] =	vst v0  }
0x33: {  	[tilespmem:$0xCA60] =	vst v0  }
0x34: {  	[tilespmem:$0xCA70] =	vst v0  }
0x35: {  	[spmem:s4] =	stream.linear.scatter [tilespmem:s10], [sflag:$0x1], $0x280, $0x38;
	[tilespmem:$0xCD00] =	vst v63  }
0x36: {  	_ =	swait.ge [sflag:s11], $0x280  }
0x37: {  	[sflag:s11] =	ssyncset.done $0x0  }
0x38: {  	[sflag:s11] =	ssyncadd.s32 $0xFFFFFD80  }
0x39: {  	[tilespmem:s2], [sflag:$0x1] =	stream.linear.gather [hbm4b:s3+s2], $0x2800, $0x38;
	[tilespmem:$0xCD00] =	vst v63  }
0x3a: {  	_ =	swait.ge [sflag:s11], $0x2800  }
0x3b: {  	[sflag:s11] =	ssyncset.done $0x0  }
0x3c: {  	[sflag:s11] =	ssyncadd.s32 $0xFFFFD800  }
0x3d: {  	[tilespmem:s12], [sflag:$0x1] =	stream.linear.gather [hbm4b:s5+s2], $0x2800, $0x38;
	[tilespmem:$0xCD00] =	vst v63  }
0x3e: {  	_ =	swait.ge [sflag:s11], $0x2800  }
0x3f: {  	[sflag:s11] =	ssyncset.done $0x0  }
0x40: {  	[sflag:s11] =	ssyncadd.s32 $0xFFFFD800  }
0x41: {  	[tilespmem:s13], [sflag:$0x1] =	stream.linear.gather [hbm4b:s6+s2], $0x2800, $0x38;
	[tilespmem:$0xCD00] =	vst v63  }
0x42: {  	_ =	swait.ge [sflag:s11], $0x2800  }
0x43: {  	[sflag:s11] =	ssyncset.done $0x0  }
0x44: {  	[sflag:s11] =	ssyncadd.s32 $0xFFFFD800  }
0x45: {  	[tilespmem:s14], [sflag:$0x1] =	stream.linear.gather [hbm4b:s7+s2], $0x2800, $0x38;
	[tilespmem:$0xCD00] =	vst v63  }
0x46: {  	_ =	swait.ge [sflag:s11], $0x2800  }
0x47: {  	[sflag:s11] =	ssyncset.done $0x0  }
0x48: {  	[sflag:s11] =	ssyncadd.s32 $0xFFFFD800  }
0x49: {  	s18 =	simm.s32 $0x0;
	[bflag:$0x0] =	sbarrier.arrive $0xFFFF  }
0x4a: {  	v1 =	vld [tilespmem:s18+$0x2800];
	_ =	sdelay $0x5  }
0x4b: {  	v2 =	vld [tilespmem:s18+$0x7800]  }
0x4c: {  	v3 =	vld [tilespmem:s18+$0x2810]  }
0x4d: {  	v1 =	vld.idx.msk [tilespmem:v1+s2+$0x0], $0xffff;
	_ =	sdelay $0x4  }
0x4e: {  	v1 =	vmul.f32 v2, v1;
	_ =	sdelay $0x1  }
0x4f: {  	[tilespmem:s18+$0xA000] =	vst v1;
	v1 =	vld [tilespmem:s18+$0x7810]  }
0x50: {  	v2 =	vld.idx.msk [tilespmem:v3+s2+$0x0], $0xffff  }
0x51: {  	v3 =	vld [tilespmem:s18+$0x2820];
	_ =	sdelay $0x4  }
0x52: {  	v1 =	vmul.f32 v1, v2;
	_ =	sdelay $0x1  }
0x53: {  	[tilespmem:s18+$0xA010] =	vst v1;
	v1 =	vld [tilespmem:s18+$0x7820]  }
0x54: {  	v2 =	vld.idx.msk [tilespmem:v3+s2+$0x0], $0xffff  }
0x55: {  	v3 =	vld [tilespmem:s18+$0x2830];
	_ =	sdelay $0x4  }
0x56: {  	v1 =	vmul.f32 v1, v2;
	_ =	sdelay $0x1  }
0x57: {  	[tilespmem:s18+$0xA020] =	vst v1;
	v1 =	vld [tilespmem:s18+$0x7830]  }
0x58: {  	v2 =	vld.idx.msk [tilespmem:v3+s2+$0x0], $0xffff  }
0x59: {  	v3 =	vld [tilespmem:s18+$0x2840];
	_ =	sdelay $0x4  }
0x5a: {  	v1 =	vmul.f32 v1, v2;
	_ =	sdelay $0x1  }
0x5b: {  	[tilespmem:s18+$0xA030] =	vst v1;
	v1 =	vld [tilespmem:s18+$0x7840]  }
0x5c: {  	v2 =	vld.idx.msk [tilespmem:v3+s2+$0x0], $0xffff  }
0x5d: {  	v3 =	vld [tilespmem:s18+$0x2850];
	_ =	sdelay $0x4  }
0x5e: {  	v1 =	vmul.f32 v1, v2;
	_ =	sdelay $0x1  }
0x5f: {  	[tilespmem:s18+$0xA040] =	vst v1;
	v1 =	vld [tilespmem:s18+$0x7850]  }
0x60: {  	v2 =	vld.idx.msk [tilespmem:v3+s2+$0x0], $0xffff  }
0x61: {  	v3 =	vld [tilespmem:s18+$0x2860];
	_ =	sdelay $0x4  }
0x62: {  	v1 =	vmul.f32 v1, v2;
	_ =	sdelay $0x1  }
0x63: {  	[tilespmem:s18+$0xA050] =	vst v1;
	v1 =	vld [tilespmem:s18+$0x7860]  }
0x64: {  	v2 =	vld.idx.msk [tilespmem:v3+s2+$0x0], $0xffff  }
0x65: {  	v3 =	vld [tilespmem:s18+$0x2870];
	_ =	sdelay $0x4  }
0x66: {  	v1 =	vmul.f32 v1, v2;
	_ =	sdelay $0x1  }
0x67: {  	[tilespmem:s18+$0xA060] =	vst v1;
	v1 =	vld [tilespmem:s18+$0x7870]  }
0x68: {  	s21 =	simm.s32 $0x80;
	s20 =	simm.s32 $0x400;
	v2 =	vld.idx.msk [tilespmem:v3+s2+$0x0], $0xffff  }
.LBB2_2:
0x69: {  	p1 =	sne.s32 s20, $0x9E00;
	v3 =	vld [tilespmem:s21+$0x2800];
	_ =	sdelay $0x4  }
0x6a: {  	v1 =	vmul.f32 v1, v2;
	_ =	sdelay $0x1  }
0x6b: {  	s19 =	simm.s32 $0x0;
	v2 =	vld [tilespmem:s21+$0x7800];
	[tilespmem:s18+$0xA070] =	vst v1;
	s18 =	smov.u32 s21  }
0x6c: {  	v1 =	vld.idx.msk [tilespmem:v3+s19+$0x0], $0xffff  }
0x6d: {  	v3 =	vld [tilespmem:s18+$0x2810];
	_ =	sdelay $0x4  }
0x6e: {  	v1 =	vmul.f32 v2, v1;
	_ =	sdelay $0x1  }
0x6f: {  	[tilespmem:s18+$0xA000] =	vst v1;
	v1 =	vld [tilespmem:s18+$0x7810]  }
0x70: {  	v2 =	vld.idx.msk [tilespmem:v3+s19+$0x0], $0xffff  }
0x71: {  	v3 =	vld [tilespmem:s18+$0x2820];
	_ =	sdelay $0x4  }
0x72: {  	v1 =	vmul.f32 v1, v2;
	_ =	sdelay $0x1  }
0x73: {  	[tilespmem:s18+$0xA010] =	vst v1;
	v1 =	vld [tilespmem:s18+$0x7820]  }
0x74: {  	v2 =	vld.idx.msk [tilespmem:v3+s19+$0x0], $0xffff  }
0x75: {  	v3 =	vld [tilespmem:s18+$0x2830];
	_ =	sdelay $0x4  }
0x76: {  	v1 =	vmul.f32 v1, v2;
	_ =	sdelay $0x1  }
0x77: {  	[tilespmem:s18+$0xA020] =	vst v1;
	v1 =	vld [tilespmem:s18+$0x7830]  }
0x78: {  	v2 =	vld.idx.msk [tilespmem:v3+s19+$0x0], $0xffff  }
0x79: {  	v3 =	vld [tilespmem:s18+$0x2840];
	_ =	sdelay $0x4  }
0x7a: {  	v1 =	vmul.f32 v1, v2;
	_ =	sdelay $0x1  }
0x7b: {  	[tilespmem:s18+$0xA030] =	vst v1;
	v1 =	vld [tilespmem:s18+$0x7840]  }
0x7c: {  	v2 =	vld.idx.msk [tilespmem:v3+s19+$0x0], $0xffff  }
0x7d: {  	v3 =	vld [tilespmem:s18+$0x2850];
	_ =	sdelay $0x4  }
0x7e: {  	v1 =	vmul.f32 v1, v2;
	_ =	sdelay $0x1  }
0x7f: {  	[tilespmem:s18+$0xA040] =	vst v1;
	v1 =	vld [tilespmem:s18+$0x7850]  }
0x80: {  	v2 =	vld.idx.msk [tilespmem:v3+s19+$0x0], $0xffff  }
0x81: {  	v3 =	vld [tilespmem:s18+$0x2860];
	_ =	sdelay $0x4  }
0x82: {  	v1 =	vmul.f32 v1, v2;
	_ =	sdelay $0x1  }
0x83: {  	[tilespmem:s18+$0xA050] =	vst v1;
	v1 =	vld [tilespmem:s18+$0x7860]  }
0x84: {  	v2 =	vld.idx.msk [tilespmem:v3+s19+$0x0], $0xffff  }
0x85: {  	v3 =	vld [tilespmem:s18+$0x2870];
	_ =	sdelay $0x3  }
.Ltmp0:
0x86: {  	(pc) =	sbr.rel @p1 .LBB2_2-.Ltmp0, $3  }
0x87: {  	v1 =	vmul.f32 v1, v2;
	_ =	sdelay $0x1  }
0x88: {  	[tilespmem:s18+$0xA060] =	vst v1;
	v1 =	vld [tilespmem:s18+$0x7870]  }
0x89: {  	s21 =	sshra.s32 s20, $0x2;
	s20 =	sadd.s32 $0x200, s20;
	v2 =	vld.idx.msk [tilespmem:v3+s19+$0x0], $0xffff  }
0x8a: {  	v3 =	vld [tilespmem:s21+$0x2800];
	_ =	sdelay $0x4  }
0x8b: {  	v1 =	vmul.f32 v1, v2;
	_ =	sdelay $0x1  }
0x8c: {  	v2 =	vld [tilespmem:s21+$0x7800];
	[tilespmem:s18+$0xA070] =	vst v1  }
0x8d: {  	v1 =	vld.idx.msk [tilespmem:v3+s19+$0x0], $0xffff  }
0x8e: {  	v3 =	vld [tilespmem:s21+$0x2810];
	_ =	sdelay $0x4  }
0x8f: {  	v1 =	vmul.f32 v2, v1;
	_ =	sdelay $0x1  }
0x90: {  	[tilespmem:s21+$0xA000] =	vst v1;
	v1 =	vld [tilespmem:s21+$0x7810]  }
0x91: {  	v2 =	vld.idx.msk [tilespmem:v3+s19+$0x0], $0xffff  }
0x92: {  	v3 =	vld [tilespmem:s21+$0x2820];
	_ =	sdelay $0x4  }
0x93: {  	v1 =	vmul.f32 v1, v2;
	_ =	sdelay $0x1  }
0x94: {  	[tilespmem:s21+$0xA010] =	vst v1;
	v1 =	vld [tilespmem:s21+$0x7820]  }
0x95: {  	v2 =	vld.idx.msk [tilespmem:v3+s19+$0x0], $0xffff  }
0x96: {  	v3 =	vld [tilespmem:s21+$0x2830];
	_ =	sdelay $0x4  }
0x97: {  	v1 =	vmul.f32 v1, v2;
	_ =	sdelay $0x1  }
0x98: {  	[tilespmem:s21+$0xA020] =	vst v1;
	v1 =	vld [tilespmem:s21+$0x7830]  }
0x99: {  	v2 =	vld.idx.msk [tilespmem:v3+s19+$0x0], $0xffff  }
0x9a: {  	v3 =	vld [tilespmem:s21+$0x2840];
	_ =	sdelay $0x4  }
0x9b: {  	v1 =	vmul.f32 v1, v2;
	_ =	sdelay $0x1  }
0x9c: {  	[tilespmem:s21+$0xA030] =	vst v1;
	v1 =	vld [tilespmem:s21+$0x7840]  }
0x9d: {  	v2 =	vld.idx.msk [tilespmem:v3+s19+$0x0], $0xffff  }
0x9e: {  	v3 =	vld [tilespmem:s21+$0x2850];
	_ =	sdelay $0x4  }
0x9f: {  	v1 =	vmul.f32 v1, v2;
	_ =	sdelay $0x1  }
0xa0: {  	[tilespmem:s21+$0xA040] =	vst v1;
	v1 =	vld [tilespmem:s21+$0x7850]  }
0xa1: {  	v2 =	vld.idx.msk [tilespmem:v3+s19+$0x0], $0xffff  }
0xa2: {  	v3 =	vld [tilespmem:s21+$0x2860];
	_ =	sdelay $0x4  }
0xa3: {  	v1 =	vmul.f32 v1, v2;
	_ =	sdelay $0x1  }
0xa4: {  	[tilespmem:s21+$0xA050] =	vst v1;
	v1 =	vld [tilespmem:s21+$0x7860]  }
0xa5: {  	v2 =	vld.idx.msk [tilespmem:v3+s19+$0x0], $0xffff  }
0xa6: {  	v3 =	vld [tilespmem:s21+$0x2870];
	_ =	sdelay $0x4  }
0xa7: {  	v1 =	vmul.f32 v1, v2;
	_ =	sdelay $0x1  }
0xa8: {  	[tilespmem:s21+$0xA060] =	vst v1;
	v1 =	vld [tilespmem:s21+$0x7870]  }
0xa9: {  	v2 =	vld.idx.msk [tilespmem:v3+s19+$0x0], $0xffff;
	_ =	sdelay $0x3  }
0xaa: {  	p1 =	por $0x1, $0x1  }
.Ltmp1:
0xab: {  	v1 =	vmul.f32 v1, v2;
	(pc) =	sbr.rel @!p1 .LBB2_5-.Ltmp1, $4  }
0xac: {  	_ = 	snop  }
0xad: {  	s30 =	simm.s32 $0xA000;
	s31 =	simm.s32 $0x5000;
	[tilespmem:s21+$0xA070] =	vst v1  }
0xae: {  	[spmem:s1] =	stream.indirect.scatter.add.f32 [tilespmem:s30], [sflag:$0x1], $0x1, s31, s15, $0xb8;
	[tilespmem:$0xCD00] =	vst v63  }
0xaf: {  	s18 =	simm.s32 $0x200;
	_ =	swait.ge [sflag:s11], $0x80  }
.LBB2_4:
0xb0: {  	s19 =	sshra.s32 s18, $0x2  }
0xb1: {  	[sflag:s11] =	ssyncset.done $0x0;
	p1 =	sne.s32 s18, $0x9E00;
	s20 =	sadd.s32 $0xA000, s19  }
.Ltmp2:
0xb2: {  	s19 =	sadd.s32 $0x5000, s19;
	[sflag:s11] =	ssyncadd.s32 $0xFFFFFF80;
	(pc) =	sbr.rel @p1 .LBB2_4-.Ltmp2, $3  }
0xb3: {  	[spmem:s1] =	stream.indirect.scatter.add.f32 [tilespmem:s20], [sflag:$0x1], $0x1, s19, s15, $0xb8;
	[tilespmem:$0xCD00] =	vst v63  }
0xb4: {  	s18 =	sadd.s32 $0x200, s18;
	_ =	sdelay $0x1  }
0xb5: {  	_ =	swait.ge [sflag:s11], $0x80  }
.LBB2_5:
0xb6: {  	[sflag:s11] =	ssyncset.done $0x0  }
0xb7: {  	s18 =	simm.s32 @!p0 $0x1;
	s19 =	simm.s32 @!p0 $0x20;
	s17 =	sadd.s32 $0x1, s17  }
0xb8: {  	s20 =	simm.s32 @!p0 $0x10;
	[sflag:s11] =	ssyncadd.s32 $0xFFFFFF80;
	p1 =	sne.s32 s17, s9  }
.Ltmp3:
0xb9: {  	s21 =	simm.s32 @!p0 $0x1C01;
	[bflag:$0x0] =	sbarrier.arrive $0xFFFF;
	(pc) =	sbr.rel @p1 .LBB2_1-.Ltmp3, $4  }
0xba: {  	[hbm:s8@s19], [sflag:s21] =	dma.strided @!p0 [spmem:s16@s20], $0x500, s18, $0x10   }
0xbb: {  	_ =	swait.ge @!p0 [sflag:s18], $0x500  }
0xbc: {  	[sflag:s18] =	ssyncset.done @!p0 $0x0  }
0xbd: {  	[sflag:s18] =	ssyncadd.s32 @!p0 $0xFFFFFB00  }
0xbe: {  	_ =	sfence.sel $0x180000  }
0xbf: {  	[bflag:$0x0] =	sbarrier.arrive $0xFFFF  }
0xc0: {  	_ =	strace $0x9000004D  }
0xc1: {  	s0 =	sadd.s32 @!p0 $0x100000, s0;
	[bflag:$0x2] =	sbarrier.arrive $0xFFFF  }
0xc2: {  	[sflag:s0] =	ssyncadd.tile.s32 @!p0 $0x1;
	_ =	shalt  }
.Lfunc_end2:
_tile_overlayer_lowered:
.L_overlay_start_2:
0xc3: {  	(tag) =	ssettag $0x2  }
0xc4: {  	s0 =	rddreg [dreg:$0x0];
	s2 =	stileid.u32  }
0xc5: {  	s1 =	rddreg [dreg:$0x1];
	p0 =	sne.s32 s2, $0x0  }
0xc6: {  	s3 =	rddreg [dreg:$0x2];
	[bflag:$0x3] =	sbarrier.arrive $0xFFFF;
	s2 =	simm.s32 @!p0 $0x1C01  }
0xc7: {  	[timem:s3], [sflag:s2] =	dma.local @!p0 [hbm:s0], s1  }
0xc8: {  	s0 =	simm.s32 @!p0 $0x1  }
0xc9: {  	_ =	swait.ge @!p0 [sflag:s0], s1  }
0xca: {  	s1 =	ssub.s32 @!p0 $0x0, s1;
	[sflag:s0] =	ssyncset.done @!p0 $0x0  }
0xcb: {  	[sflag:s0] =	ssyncadd.s32 @!p0 s1  }
0xcc: {  	[bflag:$0x3] =	sbarrier.arrive $0xFFFF  }
0xcd: {  	_ =	shalt  }

// kernel: kernel.9.cloned.1.call-start
scs
__scs_entry_jumppad:
0x0: {  	(pc) =	sbr.rel $0x88, $3  }
0x1: {  	(tag) =	ssettag $0x0;
	lr =	simm.s32 $0x1  }
0x2: {  	[smem:$0x3F96] =	sst lr;
	_ =	strace $0xD0000000  }
0x3: {  	_ = 	snop  }
0x4: {  	_ = 	snop  }
0x5: {  	_ = 	snop  }
0x6: {  	_ = 	snop  }
0x7: {  	_ = 	snop  }
__scs_overlays_trampoline_lowered:
0x8: {  	[smem:$0x3FA5] =	sst s0  }
0x9: {  	[smem:$0x3FA6] =	sst s1  }
0xa: {  	[smem:$0x3FA7] =	sst s2  }
0xb: {  	[smem:$0x3FA8] =	sst s3  }
0xc: {  	[smem:$0x3FA9] =	sst s4  }
0xd: {  	[smem:$0x3FAA] =	sst s5  }
0xe: {  	[smem:$0x3FAB] =	sst s6  }
0xf: {  	[smem:$0x3FAC] =	sst s7  }
0x10: {  	[smem:$0x3FAD] =	sst s8  }
0x11: {  	[smem:$0x3FAE] =	sst s9;
	s0 =	simm.s32 @!p0 $0x0  }
0x12: {  	s1 =	sld [smem:$0x3F94];
	s0 =	simm.s32 @p0 $0x1  }
0x13: {  	[smem:$0x3FAF] =	sst s0;
	s0 =	simm.s32 @!p1 $0x0  }
0x14: {  	s2 =	sld [smem:$0x3F93];
	s0 =	simm.s32 @p1 $0x1  }
0x15: {  	[smem:$0x3FB0] =	sst s0;
	s0 =	simm.s32 @!p2 $0x0  }
0x16: {  	s3 =	sld [smem:$0x3FDB];
	s0 =	simm.s32 @p2 $0x1  }
0x17: {  	s4 =	simm.s32 $0x1BF5;
	[smem:$0x3FB2] =	sst s0  }
0x18: {  	s0 =	sld [smem:$0x3F95];
	_ =	swait.ge [sflag:s4], $0x0  }
0x19: {  	s7 =	sld [smem:$0x3F96]  }
0x1a: {  	s8 =	sadd.s32 $0xFFFFE003, lr  }
0x1b: {  	s9 =	sadd.s32 $0xFFFFFEF7, lr;
	s5 =	simm.s32 $0xFFFFFFFF;
	p2 =	slt.u32 s8, $0xFFFFF086  }
0x1c: {  	p1 =	slt.u32 s9, $0xF7A;
	s5 =	simm.s32 @!p2 $0x0  }
0x1d: {  	s5 =	simm.s32 @p1 $0x1;
	p0 =	seq.s32 s7, s2  }
0x1e: {  	s7 =	smul.u32 @!p0 $0xF7A, s2;
	p2 =	seq.s32 @!p0 s5, $0x0  }
0x1f: {  	s9 =	smul.u32 $0xF7A, s1;
	s8 =	simm.s32 @!p0 $0x1BF5;
	p2 =	por !p2, p0  }
0x20: {  	[sflag:s8] =	ssyncset.s32 @!p0 $0xFFFFF086;
	s6 =	sadd.s32 @!p0 s3, s7;
	s7 =	simm.s32 @!p0 $0x108  }
0x21: {  	s3 =	sadd.s32 s3, s9;
	s6 =	sadd.s32 @!p0 $0x88, s6;
	s7 =	simm.s32 @p2 $0x1082  }
0x22: {  	[simem:s7], [sflag:s8] =	dma.local @!p0 [hbm:s6], $0xF7A  }
0x23: {  	s9 =	sor.u32 $0xD0000000, s2;
	s6 =	simm.s32 $0x108;
	_ =	swait.ge @!p0 [sflag:s8], $0x0  }
0x24: {  	s3 =	sadd.s32 $0x88, s3;
	s6 =	simm.s32 @!p1 $0x1082;
	[sflag:s4] =	ssyncset.s32 $0xFFFFF086  }
0x25: {  	[simem:s6], [sflag:s4] =	dma.local [hbm:s3], $0xF7A  }
0x26: {  	[smem:$0x3F96] =	sst s1;
	(tag) =	ssettag s2;
	_ =	strace s9  }
0x27: {  	s1 =	sld [smem:$0x3FA6]  }
0x28: {  	s2 =	sld [smem:$0x3FA7]  }
0x29: {  	s4 =	sld [smem:$0x3FA9]  }
0x2a: {  	p0 =	seq.s32 s5, $0x0;
	s5 =	sld [smem:$0x3FAA]  }
0x2b: {  	s6 =	sld [smem:$0x3FAB]  }
0x2c: {  	s7 =	sld [smem:$0x3FAC]  }
0x2d: {  	s3 =	simm.s32 $0x108;
	s8 =	sld [smem:$0x3FAD]  }
0x2e: {  	s3 =	simm.s32 @!p0 $0x1082;
	s9 =	sld [smem:$0x3FAE]  }
0x2f: {  	lr =	sadd.s32 s0, s3;
	s0 =	sld [smem:$0x3FA5]  }
0x30: {  	s3 =	sld [smem:$0x3FA8]  }
0x31: {  	[smem:$0x3FB1] =	sst s10  }
0x32: {  	s10 =	sld [smem:$0x3FAF];
	_ =	sdelay $0x3  }
0x33: {  	p0 =	seq.s32 s10, $0x1;
	s10 =	sld [smem:$0x3FB1];
	_ =	sdelay $0x3  }
0x34: {  	[smem:$0x3FB1] =	sst s10  }
0x35: {  	s10 =	sld [smem:$0x3FB0];
	_ =	sdelay $0x3  }
0x36: {  	p1 =	seq.s32 s10, $0x1;
	s10 =	sld [smem:$0x3FB1];
	_ =	sdelay $0x3  }
0x37: {  	[smem:$0x3FB1] =	sst s10  }
0x38: {  	s10 =	sld [smem:$0x3FB2]  }
0x39: {  	_ = 	snop;
	(pc) =	sbr.ind lr, $3  }
0x3a: {  	_ = 	snop  }
0x3b: {  	_ = 	snop  }
0x3c: {  	p2 =	seq.s32 s10, $0x1;
	s10 =	sld [smem:$0x3FB1]  }
0x3d: {  	_ =	shalt  }
0x3e: {  	_ =	shalt  }
0x3f: {  	_ =	shalt  }
0x40: {  	_ =	shalt  }
0x41: {  	_ =	shalt  }
0x42: {  	_ =	shalt  }
0x43: {  	_ =	shalt  }
0x44: {  	_ =	shalt  }
0x45: {  	_ =	shalt  }
0x46: {  	_ =	shalt  }
0x47: {  	_ =	shalt  }
0x48: {  	_ =	shalt  }
0x49: {  	_ =	shalt  }
0x4a: {  	_ =	shalt  }
0x4b: {  	_ =	shalt  }
0x4c: {  	_ =	shalt  }
0x4d: {  	_ =	shalt  }
0x4e: {  	_ =	shalt  }
0x4f: {  	_ =	shalt  }
0x50: {  	_ =	shalt  }
0x51: {  	_ =	shalt  }
0x52: {  	_ =	shalt  }
0x53: {  	_ =	shalt  }
0x54: {  	_ =	shalt  }
0x55: {  	_ =	shalt  }
0x56: {  	_ =	shalt  }
0x57: {  	_ =	shalt  }
0x58: {  	_ =	shalt  }
0x59: {  	_ =	shalt  }
0x5a: {  	_ =	shalt  }
0x5b: {  	_ =	shalt  }
0x5c: {  	_ =	shalt  }
0x5d: {  	_ =	shalt  }
0x5e: {  	_ =	shalt  }
0x5f: {  	_ =	shalt  }
0x60: {  	_ =	shalt  }
0x61: {  	_ =	shalt  }
0x62: {  	_ =	shalt  }
0x63: {  	_ =	shalt  }
0x64: {  	_ =	shalt  }
0x65: {  	_ =	shalt  }
0x66: {  	_ =	shalt  }
0x67: {  	_ =	shalt  }
0x68: {  	_ =	shalt  }
0x69: {  	_ =	shalt  }
0x6a: {  	_ =	shalt  }
0x6b: {  	_ =	shalt  }
0x6c: {  	_ =	shalt  }
0x6d: {  	_ =	shalt  }
0x6e: {  	_ =	shalt  }
0x6f: {  	_ =	shalt  }
0x70: {  	_ =	shalt  }
0x71: {  	_ =	shalt  }
0x72: {  	_ =	shalt  }
0x73: {  	_ =	shalt  }
0x74: {  	_ =	shalt  }
0x75: {  	_ =	shalt  }
0x76: {  	_ =	shalt  }
0x77: {  	_ =	shalt  }
0x78: {  	_ =	shalt  }
0x79: {  	_ =	shalt  }
0x7a: {  	_ =	shalt  }
0x7b: {  	_ =	shalt  }
0x7c: {  	_ =	shalt  }
0x7d: {  	_ =	shalt  }
0x7e: {  	_ =	shalt  }
0x7f: {  	_ =	shalt  }
0x80: {  	_ =	shalt  }
0x81: {  	_ =	shalt  }
0x82: {  	_ =	shalt  }
0x83: {  	_ =	shalt  }
0x84: {  	_ =	shalt  }
0x85: {  	_ =	shalt  }
0x86: {  	_ =	shalt  }
0x87: {  	_ =	shalt  }
.Lfunc_end0:
.L_simem_size_0:
called_computation_lowered:
.L_overlay_start_0:
0x88: {  	s2 =	sld [smem:$0x3FD9]  }
0x89: {  	s3 =	sld [smem:$0x3FFE];
	_ =	sdelay $0x1  }
0x8a: {  	s1 =	srdreg.scid  }
0x8b: {  	s0 =	sand.u32 $0x1, s1  }
0x8c: {  	s16 =	sshll.u32 s0, $0xA;
	s2 =	sadd.s32 s3, s2  }
0x8d: {  	s2 =	sadd.s32 s2, s16  }
0x8e: {  	[smem:$0x3FBD] =	sst s2  }
0x8f: {  	_ = 	snop  }
0x90: {  	(tm) =	ssettm $0x1  }
0x91: {  	s17 =	sld [smem:$0x3FFB];
	_ =	sdelay $0x3  }
0x92: {  	_ =	strace s17  }
0x93: {  	s2 =	sld [smem:$0x3FFC];
	_ =	sdelay $0x3  }
0x94: {  	_ =	strace s2  }
0x95: {  	s2 =	sld [smem:$0x3FFD];
	_ =	sdelay $0x3  }
0x96: {  	_ =	strace s2  }
0x97: {  	_ =	strace $0x8FFFFFFF  }
0x98: {  	s18 =	sld [smem:$0x3FDB];
	_ =	sdelay $0x1  }
0x99: {  	s19 =	simm.s32 $_scs_section_size  }
0x9a: {  	s4 =	simm.s32 $_size__tile_overlayer_lowered;
	s5 =	simm.s32 $_tile_overlayer_lowered  }
0x9b: {  	s22 =	simm.s32 $0x1BFF;
	s21 =	sshll.u32 s5, $0x1;
	s2 =	sadd.s32 s19, s18  }
0x9c: {  	s6 =	simm.s32 $0x0;
	s20 =	sshll.u32 s4, $0x1;
	s4 =	sadd.s32 s21, s2  }
0x9d: {  	[timem:s6], [sflag:s22] =	dma.local [hbm:s4], s20  }
0x9e: {  	_ =	swait.ge [sflag:s22], s20  }
0x9f: {  	s3 =	ssub.s32 $0x0, s20;
	[sflag:s22] =	ssyncset.done $0x0  }
0xa0: {  	[sflag:s22] =	ssyncadd.s32 s3;
	_ =	sdelay $0x1  }
0xa1: {  	s23 =	simm.s32 $0x1B8B  }
0xa2: {  	_ =	swait.ge [sflag:s23], $0x1  }
0xa3: {  	[sflag:s23] =	ssyncset.done $0x0  }
0xa4: {  	s25 =	simm.s32 $0x1B8E;
	s24 =	sld [smem:$0x3FFE];
	[sflag:s23] =	ssyncadd.s32 $0xFFFFFFFF  }
0xa5: {  	s26 =	simm.s32 $execute0_lowered;
	[smem:$0x3FD2] =	sst s25  }
0xa6: {  	s4 =	sshll.u32 s26, $0x1;
	_ =	strace $0x80000046;
	[dreg:$0x1] =	wrdreg $0xFFFFFFFF  }
0xa7: {  	s28 =	simm.s32 $_size_execute0_lowered;
	s2 =	sadd.s32 s2, s4;
	[dreg:$0x0] =	wrdreg $0x0  }
0xa8: {  	s4 =	sshll.u32 s28, $0x1;
	[dreg:$0x2] =	wrdreg s2  }
0xa9: {  	[dreg:$0x3] =	wrdreg s4  }
0xaa: {  	[dreg:$0x4] =	wrdreg $0xC0  }
0xab: {  	_ =	task [dreg:s6], $0x5FFFF  }
0xac: {  	[dreg:$0x1] =	wrdreg $0xFFFFFFFF  }
0xad: {  	[dreg:$0x0] =	wrdreg $0x60  }
0xae: {  	[dreg:$0x2] =	wrdreg s24  }
0xaf: {  	[dreg:$0x3] =	wrdreg $0x52800  }
0xb0: {  	[dreg:$0x4] =	wrdreg $0x9  }
0xb1: {  	_ =	task.clear_ibuf [dreg:s6], $0x5FFFF;
	_ =	strace $0x90000046  }
0xb2: {  	s29 =	simm.s32 $0x9;
	_ =	strace $0x80000048  }
0xb3: {  	_ =	swait.ge [sflag:s29], $0x1  }
0xb4: {  	[sflag:s29] =	ssyncadd.s32 $0xFFFFFFFF  }
0xb5: {  	_ =	strace $0x90000048  }
0xb6: {  	_ =	sfence  }
0xb7: {  	s30 =	sld [smem:$0x0];
	_ =	sdelay $0x2  }
0xb8: {  	s31 =	sshll.u32 s1, $0xD;
	s1 =	sshrl.u32 s1, $0x2  }
0xb9: {  	s3 =	sand.u32 $0x4000, s31;
	s1 =	sadd.s32 s1, s30  }
0xba: {  	s0 =	sor.u32 s3, s0;
	s1 =	sshll.u32 s1, $0x11  }
0xbb: {  	s0 =	sor.u32 s1, s0  }
0xbc: {  	s0 =	sadd.s32 $0x8F2B, s0  }
0xbd: {  	[sflag:s0] =	ssyncadd.remote.s32 $0x1  }
0xbe: {  	_ =	sfence.sel $0xFFFF  }
0xbf: {  	[dreg:$0x0] =	wrdreg $0xFFFFFFFF;
	(pc) =	sbr.abs _section_cstart, $3  }
0xc0: {  	[dreg:$0x1] =	wrdreg $0xFFFFFFFF  }
0xc1: {  	_ =	task.clear_ibuf [dreg:s6], $0x2FFFF;
	_ =	strace $0x9FFFFFFF  }
0xc2: {  	(tm) =	ssettm $0x7FFFFFFF  }
0xc3: {  	_ =	shalt  }
tec
execute0_lowered:
.L_overlay_start_1:
0x0: {  	(tag) =	ssettag $0x1  }
0x1: {  	s0 =	srdreg.scid;
	s4 =	rddreg [dreg:$0x0]  }
0x2: {  	s11 =	stileid.u32;
	s1 =	rddreg [dreg:$0x1]  }
0x3: {  	s2 =	simm.s32 $0x0;
	s3 =	sand.u32 $0x1, s0;
	s0 =	rddreg [dreg:$0x2]  }
0x4: {  	s10 =	simm.s32 $0x2800;
	s13 =	simm.s32 $0x0;
	[smem:$0x7FF] =	sst s2  }
0x5: {  	s7 =	smul.u32 $0xA00, s11;
	p0 =	sne.s32 s11, $0x0;
	s5 =	sshll.u32 s3, $0x4  }
0x6: {  	s3 =	ssub.s32 $0x2, s3;
	_ =	strace $0x80000047;
	s6 =	sor.u32 s11, s5  }
0x7: {  	s12 =	sshrl.u32 @!p0 s1, $0x3;
	s8 =	sshrl.u32 s3, $0x1;
	s6 =	smul.u32 $0x500, s6  }
0x8: {  	s9 =	sadd.s32 s5, s4;
	s31 =	sshrl.u32 s7, $0x2;
	s11 =	simm.s32 $0x80  }
0x9: {  	s8 =	ssub.s32 s3, s8;
	s3 =	sadd.s32 s31, s1;
	s6 =	sadd.s32 s6, s4  }
0xa: {  	s7 =	smax.u32 s8, $0x1;
	s8 =	simm.s32 $0x5000;
	s4 =	sadd.s32 $0x16E00, s6  }
0xb: {  	v0 =	vimm.f32 $0.0e+00;
	s5 =	sadd.s32 $0x2E00, s6;
	s6 =	sadd.s32 $0x20E00, s9;
	s9 =	simm.s32 $0x1  }
.LBB2_1:
0xc: {  	[tilespmem:$0x5000] =	vst v0  }
0xd: {  	[tilespmem:$0x5010] =	vst v0  }
0xe: {  	[tilespmem:$0x5020] =	vst v0  }
0xf: {  	[tilespmem:$0x5030] =	vst v0  }
0x10: {  	[tilespmem:$0x5040] =	vst v0  }
0x11: {  	[tilespmem:$0x5050] =	vst v0  }
0x12: {  	[tilespmem:$0x5060] =	vst v0  }
0x13: {  	[tilespmem:$0x5070] =	vst v0  }
0x14: {  	[tilespmem:$0x5080] =	vst v0  }
0x15: {  	[tilespmem:$0x5090] =	vst v0  }
0x16: {  	[tilespmem:$0x50A0] =	vst v0  }
0x17: {  	[tilespmem:$0x50B0] =	vst v0  }
0x18: {  	[tilespmem:$0x50C0] =	vst v0  }
0x19: {  	[tilespmem:$0x50D0] =	vst v0  }
0x1a: {  	[tilespmem:$0x50E0] =	vst v0  }
0x1b: {  	[tilespmem:$0x50F0] =	vst v0  }
0x1c: {  	[tilespmem:$0x5100] =	vst v0  }
0x1d: {  	[tilespmem:$0x5110] =	vst v0  }
0x1e: {  	[tilespmem:$0x5120] =	vst v0  }
0x1f: {  	[tilespmem:$0x5130] =	vst v0  }
0x20: {  	[tilespmem:$0x5140] =	vst v0  }
0x21: {  	[tilespmem:$0x5150] =	vst v0  }
0x22: {  	[tilespmem:$0x5160] =	vst v0  }
0x23: {  	[tilespmem:$0x5170] =	vst v0  }
0x24: {  	[tilespmem:$0x5180] =	vst v0  }
0x25: {  	[tilespmem:$0x5190] =	vst v0  }
0x26: {  	[tilespmem:$0x51A0] =	vst v0  }
0x27: {  	[tilespmem:$0x51B0] =	vst v0  }
0x28: {  	[tilespmem:$0x51C0] =	vst v0  }
0x29: {  	[tilespmem:$0x51D0] =	vst v0  }
0x2a: {  	[tilespmem:$0x51E0] =	vst v0  }
0x2b: {  	[tilespmem:$0x51F0] =	vst v0  }
0x2c: {  	[tilespmem:$0x5200] =	vst v0  }
0x2d: {  	[tilespmem:$0x5210] =	vst v0  }
0x2e: {  	[tilespmem:$0x5220] =	vst v0  }
0x2f: {  	[tilespmem:$0x5230] =	vst v0  }
0x30: {  	[tilespmem:$0x5240] =	vst v0  }
0x31: {  	[tilespmem:$0x5250] =	vst v0  }
0x32: {  	[tilespmem:$0x5260] =	vst v0  }
0x33: {  	[tilespmem:$0x5270] =	vst v0  }
0x34: {  	[spmem:s3] =	stream.linear.scatter [tilespmem:s8], [sflag:$0x1], $0x280, $0x38;
	[tilespmem:$0x5500] =	vst v63  }
0x35: {  	_ =	swait.ge [sflag:s9], $0x280  }
0x36: {  	[sflag:s9] =	ssyncset.done $0x0  }
0x37: {  	[sflag:s9] =	ssyncadd.s32 $0xFFFFFD80  }
0x38: {  	[tilespmem:s2], [sflag:$0x1] =	stream.linear.gather [hbm4b:s4+s2], $0x2800, $0x38;
	[tilespmem:$0x5500] =	vst v63  }
0x39: {  	_ =	swait.ge [sflag:s9], $0x2800  }
0x3a: {  	[sflag:s9] =	ssyncset.done $0x0  }
0x3b: {  	[sflag:s9] =	ssyncadd.s32 $0xFFFFD800  }
0x3c: {  	[tilespmem:s10], [sflag:$0x1] =	stream.linear.gather [hbm4b:s5+s2], $0x2800, $0x38;
	[tilespmem:$0x5500] =	vst v63  }
0x3d: {  	_ =	swait.ge [sflag:s9], $0x2800  }
0x3e: {  	[sflag:s9] =	ssyncset.done $0x0  }
0x3f: {  	[sflag:s9] =	ssyncadd.s32 $0xFFFFD800  }
0x40: {  	s14 =	simm.s32 $0x0;
	s15 =	simm.s32 $0x2800;
	[bflag:$0x0] =	sbarrier.arrive $0xFFFF  }
0x41: {  	[spmem:s1] =	stream.indirect.scatter.add.f32 [tilespmem:s15], [sflag:$0x1], $0x1, s14, s11, $0xb8;
	[tilespmem:$0x5500] =	vst v63  }
0x42: {  	s14 =	simm.s32 $0x200;
	_ =	swait.ge [sflag:s9], $0x80  }
.LBB2_2:
0x43: {  	s15 =	sshra.s32 s14, $0x2;
	[sflag:s9] =	ssyncset.done $0x0;
	p1 =	sne.s32 s14, $0x9E00  }
.Ltmp0:
0x44: {  	s16 =	sadd.s32 $0x2800, s15;
	[sflag:s9] =	ssyncadd.s32 $0xFFFFFF80;
	(pc) =	sbr.rel @p1 .LBB2_2-.Ltmp0, $3  }
0x45: {  	[spmem:s1] =	stream.indirect.scatter.add.f32 [tilespmem:s16], [sflag:$0x1], $0x1, s15, s11, $0xb8;
	[tilespmem:$0x5500] =	vst v63  }
0x46: {  	s14 =	sadd.s32 $0x200, s14;
	_ =	sdelay $0x1  }
0x47: {  	_ =	swait.ge [sflag:s9], $0x80  }
0x48: {  	[sflag:s9] =	ssyncset.done $0x0  }
0x49: {  	s14 =	simm.s32 @!p0 $0x1;
	s15 =	simm.s32 @!p0 $0x20;
	s13 =	sadd.s32 $0x1, s13  }
0x4a: {  	s16 =	simm.s32 @!p0 $0x10;
	[sflag:s9] =	ssyncadd.s32 $0xFFFFFF80;
	p1 =	sne.s32 s13, s7  }
.Ltmp1:
0x4b: {  	s17 =	simm.s32 @!p0 $0x1C01;
	[bflag:$0x0] =	sbarrier.arrive $0xFFFF;
	(pc) =	sbr.rel @p1 .LBB2_1-.Ltmp1, $4  }
0x4c: {  	[hbm:s6@s15], [sflag:s17] =	dma.strided @!p0 [spmem:s12@s16], $0x500, s14, $0x10   }
0x4d: {  	_ =	swait.ge @!p0 [sflag:s14], $0x500  }
0x4e: {  	[sflag:s14] =	ssyncset.done @!p0 $0x0  }
0x4f: {  	[sflag:s14] =	ssyncadd.s32 @!p0 $0xFFFFFB00  }
0x50: {  	_ =	sfence.sel $0x180000  }
0x51: {  	[bflag:$0x0] =	sbarrier.arrive $0xFFFF  }
0x52: {  	_ =	strace $0x90000047  }
0x53: {  	s0 =	sadd.s32 @!p0 $0x100000, s0;
	[bflag:$0x2] =	sbarrier.arrive $0xFFFF  }
0x54: {  	[sflag:s0] =	ssyncadd.tile.s32 @!p0 $0x1;
	_ =	shalt  }
.Lfunc_end2:
_tile_overlayer_lowered:
.L_overlay_start_2:
0x55: {  	(tag) =	ssettag $0x2  }
0x56: {  	s0 =	rddreg [dreg:$0x0];
	s2 =	stileid.u32  }
0x57: {  	s1 =	rddreg [dreg:$0x1];
	p0 =	sne.s32 s2, $0x0  }
0x58: {  	s3 =	rddreg [dreg:$0x2];
	[bflag:$0x3] =	sbarrier.arrive $0xFFFF;
	s2 =	simm.s32 @!p0 $0x1C01  }
0x59: {  	[timem:s3], [sflag:s2] =	dma.local @!p0 [hbm:s0], s1  }
0x5a: {  	s0 =	simm.s32 @!p0 $0x1  }
0x5b: {  	_ =	swait.ge @!p0 [sflag:s0], s1  }
0x5c: {  	s1 =	ssub.s32 @!p0 $0x0, s1;
	[sflag:s0] =	ssyncset.done @!p0 $0x0  }
0x5d: {  	[sflag:s0] =	ssyncadd.s32 @!p0 s1  }
0x5e: {  	[bflag:$0x3] =	sbarrier.arrive $0xFFFF  }
0x5f: {  	_ =	shalt  }

</sc_bundles>
